<compile_context>
chip_gen: v7x
topology: tpu7x:2x2x1
jax: 0.10.2.dev20260603
libtpu: 0.0.44.dev20260713+nightly
codegen_flags: <defaults>
</compile_context>

<pallas_src>
import functools

import jax
import jax.numpy as jnp
from jax import lax
from jax.experimental import pallas as pl
from jax.experimental.pallas import tpu as pltpu
from jax.experimental.pallas import tpu_sc as plsc

B, S = 4096, 50
NG = 32
NQ = 64
D = 128
T = B * S
NW = 32
TPW = T // NW
CH = 64
NCH = TPW // CH
L = 16


RB = 2048
G = T // RB
IR = RB // 128


def _decode_body(g_ref, q_ref, i0_ref, i1_ref):
    iota_g = lax.broadcasted_iota(jnp.int32, (1, NG), 1).astype(jnp.float32)
    gs = jnp.sum(g_ref[...] * iota_g, axis=1)
    iota_q = lax.broadcasted_iota(
        jnp.int32, (1, 1, NQ), 2).astype(jnp.float32)
    qs = jnp.sum(q_ref[...] * iota_q, axis=2)
    i0 = NQ * gs + qs[:, 0]
    i1 = (NG * NQ) + NQ * gs + qs[:, 1]
    i0_ref[...] = i0.astype(jnp.int32).reshape(IR, 128)
    i1_ref[...] = i1.astype(jnp.int32).reshape(IR, 128)


_decode = pl.pallas_call(
    _decode_body,
    grid=(G,),
    in_specs=[
        pl.BlockSpec((RB, NG), lambda i: (i, 0)),
        pl.BlockSpec((RB, 2, NQ), lambda i: (i, 0, 0)),
    ],
    out_specs=[
        pl.BlockSpec((IR, 128), lambda i: (i, 0)),
        pl.BlockSpec((IR, 128), lambda i: (i, 0)),
    ],
    out_shape=[jax.ShapeDtypeStruct((T // 128, 128), jnp.int32)] * 2,
)



def _table_body(w_ref, qt_ref, ct_ref):
    w = w_ref[...]
    qt = qt_ref[...]
    lo = w[:, None, :D] + qt[None, :, :]
    hi = w[:, None, D:] + qt[None, :, :]
    ct_ref[...] = jnp.concatenate(
        [lo.reshape(NG * NQ, D), hi.reshape(NG * NQ, D)], axis=0)


_build_table = pl.pallas_call(
    _table_body,
    out_shape=jax.ShapeDtypeStruct((2 * NG * NQ, D), jnp.float32),
)


_mesh = plsc.VectorSubcoreMesh(core_axis_name="c", subcore_axis_name="s")


@functools.partial(
    pl.kernel,
    out_type=jax.ShapeDtypeStruct((2 * T, D), jnp.float32),
    mesh=_mesh,
    compiler_params=pltpu.CompilerParams(needs_layout_passes=False),
    scratch_types=(
        [pltpu.VMEM((TPW,), jnp.int32)] * 2
        + [pltpu.VMEM((2 * CH,), jnp.int32)] * 4
        + [pltpu.VMEM((2 * CH, D), jnp.float32)] * 4
        + [pltpu.SemaphoreType.DMA] * 8
    ),
)
def _sc_gather(i0_hbm, i1_hbm, ct_hbm, out_hbm,
               i0_v, i1_v, ii0, ii1, ii2, ii3, ob0, ob1, ob2, ob3,
               gsem0, gsem1, gsem2, gsem3, osem0, osem1, osem2, osem3):
    wid = lax.axis_index("s") * 2 + lax.axis_index("c")
    base = wid * TPW
    pltpu.sync_copy(i0_hbm.at[pl.ds(base, TPW)], i0_v)
    pltpu.sync_copy(i1_hbm.at[pl.ds(base, TPW)], i1_v)

    iis = (ii0, ii1, ii2, ii3)
    obs = (ob0, ob1, ob2, ob3)
    gsems = (gsem0, gsem1, gsem2, gsem3)
    osems = (osem0, osem1, osem2, osem3)
    iota = lax.iota(jnp.int32, L)

    def start_gather(ci, b):
        off = ci * CH
        for m in range(CH // L):
            sl = pl.ds(off + m * L, L)
            plsc.store_scatter(iis[b], [2 * (m * L + iota)], i0_v[sl])
            plsc.store_scatter(iis[b], [2 * (m * L + iota) + 1], i1_v[sl])
        pltpu.async_copy(ct_hbm.at[iis[b]], obs[b], gsems[b])

    def finish_chunk(ci, b):
        pltpu.make_async_copy(ct_hbm.at[iis[b]], obs[b], gsems[b]).wait()
        dst = out_hbm.at[pl.ds(2 * (base + ci * CH), 2 * CH)]
        pltpu.async_copy(obs[b], dst, osems[b])

    def drain_out(ci, b):
        dst = out_hbm.at[pl.ds(2 * (base + ci * CH), 2 * CH)]
        pltpu.make_async_copy(obs[b], dst, osems[b]).wait()

    NB = 4

    def block(li, carry):
        for b in range(NB):
            ci = NB * li + b

            @pl.when(li > 0)
            def _reclaim():
                drain_out(ci - NB, b)

            start_gather(ci, b)
            if b == 0:

                @pl.when(li > 0)
                def _finish_prev():
                    finish_chunk(ci - 1, NB - 1)

            else:
                finish_chunk(ci - 1, b - 1)
        return carry

    lax.fori_loop(0, NCH // NB, block, 0)
    finish_chunk(NCH - 1, NB - 1)
    for b in range(NB):
        drain_out(NCH - NB + b, b)


def kernel(gates_oh, gate_qubits_oh, qubits, W_gate):
    g_flat = gates_oh.reshape(T, NG)
    q_flat = gate_qubits_oh.reshape(T, 2, NQ)
    i0, i1 = _decode(g_flat, q_flat)
    ct = _build_table(W_gate, qubits)
    out = _sc_gather(i0.reshape(T), i1.reshape(T), ct)
    return out.reshape(B, S, 2 * D)

# --- scband reference (transcript-rebuilt; emitter-appended) ---
"""Pipeline reference for scband-token-c-embedding-85169201479979 (READ-ONLY COPY).

The authoritative reference and input builder live on the scoring server;
editing this copy changes nothing except your own understanding.
"""

import jax, jax.numpy as jnp
import numpy as np

B, S = 4096, 50
N_GATE_TYPES = 32
N_QUBITS = 64
D = 128  # C_gt_1q_dim


def setup_inputs(seed: int = 0) -> dict:
    key = jax.random.key(seed)
    k1, k2, k3, k4 = jax.random.split(key, 4)
    # one-hot gate type per gate token
    gate_idx = jax.random.randint(k1, (B, S), 0, N_GATE_TYPES)
    gates_oh = jax.nn.one_hot(gate_idx, N_GATE_TYPES, dtype=jnp.float32)
    # one-hot (control, target) qubit selection per gate token
    q_idx = jax.random.randint(k2, (B, S, 2), 0, N_QUBITS)
    gate_qubits_oh = jax.nn.one_hot(q_idx, N_QUBITS, dtype=jnp.float32)
    # learned per-qubit tensors [n_qubits, D]
    qubits = jax.random.normal(k3, (N_QUBITS, D), dtype=jnp.float32)
    # learned gate-type embedding table; 2-qubit layout -> dim 2*D
    W_gate = jax.random.normal(k4, (N_GATE_TYPES, 2 * D), dtype=jnp.float32) * 0.02
    return {"gates_oh": gates_oh, "gate_qubits_oh": gate_qubits_oh,
            "qubits": qubits, "W_gate": W_gate}


def reference(gates_oh, gate_qubits_oh, qubits, W_gate):
    # gate type embedding: one-hot lookup into gate-type table -> [B, S, 2D]
    gate_type_emb = jnp.einsum('bsg,ge->bse', gates_oh, W_gate)
    # gather the 2 qubit tensors (control, target) via one-hot -> [B, S, 2, D]
    q_emb = jnp.einsum('bskn,nd->bskd', gate_qubits_oh, qubits)
    # concat control/target qubit tensors -> [B, S, 2D]
    q_concat = q_emb.reshape(q_emb.shape[0], q_emb.shape[1], -1)
    # token = gate type embedding + (concatenated) qubit tensor(s)
    return gate_type_emb + q_concat

if __name__ == "__main__":
    import jax
    _d = setup_inputs()
    print(jax.jit(kernel)(*tuple(_d.values())))

</pallas_src>

<mosaic_0001>
#map = affine_map<(d0, d1) -> (0)>
#map1 = affine_map<(d0, d1) -> (0, 0)>
module attributes {stable_mosaic.version = 14 : i64} {
  func.func @_sc_gather(%arg0: i32, %arg1: i32, %arg2: memref<204800xi32, #tpu.memory_space<hbm>>, %arg3: memref<204800xi32, #tpu.memory_space<hbm>>, %arg4: memref<4096x128xf32, #tpu.memory_space<hbm>>, %arg5: memref<409600x128xf32, #tpu.memory_space<hbm>>, %arg6: memref<6400xi32, #tpu.memory_space<vmem>>, %arg7: memref<6400xi32, #tpu.memory_space<vmem>>, %arg8: memref<128xi32, #tpu.memory_space<vmem>>, %arg9: memref<128xi32, #tpu.memory_space<vmem>>, %arg10: memref<128xi32, #tpu.memory_space<vmem>>, %arg11: memref<128xi32, #tpu.memory_space<vmem>>, %arg12: memref<128x128xf32, #tpu.memory_space<vmem>>, %arg13: memref<128x128xf32, #tpu.memory_space<vmem>>, %arg14: memref<128x128xf32, #tpu.memory_space<vmem>>, %arg15: memref<128x128xf32, #tpu.memory_space<vmem>>, %arg16: memref<!tpu.dma_semaphore, #tpu.memory_space<semaphore_mem>>, %arg17: memref<!tpu.dma_semaphore, #tpu.memory_space<semaphore_mem>>, %arg18: memref<!tpu.dma_semaphore, #tpu.memory_space<semaphore_mem>>, %arg19: memref<!tpu.dma_semaphore, #tpu.memory_space<semaphore_mem>>, %arg20: memref<!tpu.dma_semaphore, #tpu.memory_space<semaphore_mem>>, %arg21: memref<!tpu.dma_semaphore, #tpu.memory_space<semaphore_mem>>, %arg22: memref<!tpu.dma_semaphore, #tpu.memory_space<semaphore_mem>>, %arg23: memref<!tpu.dma_semaphore, #tpu.memory_space<semaphore_mem>>) attributes {dimension_semantics = [#tpu.dimension_semantics<core_parallel>, #tpu.dimension_semantics<subcore_parallel>], iteration_bounds = array<i64: 2, 16>, scalar_prefetch = 0 : i64, scratch_operands = 18 : i64, tpu.core_type = #tpu.core_type<sc_vector_subcore>, window_params = [{transform_indices = #map}, {transform_indices = #map}, {transform_indices = #map1}, {transform_indices = #map1}]} {
    %mul3A = arith.constant 2 : i32
    %mul3A_0 = arith.muli %arg1, %mul3A : i32
    %add3A = arith.addi %mul3A_0, %arg0 : i32
    %mul3A_1 = arith.constant 6400 : i32
    %mul3A_2 = arith.muli %add3A, %mul3A_1 : i32
    "tpu.region"() ({
      %run_scoped3A = tpu.sem_alloc : memref<!tpu.dma_semaphore, #tpu.memory_space<semaphore_mem>>
      %dma_start3A_49 = tpu.memref_slice %arg2[%mul3A_2] : memref<204800xi32, #tpu.memory_space<hbm>> -> memref<6400xi32, #tpu.memory_space<hbm>>
      %dma_start3A_50 = tpu.memref_slice %arg2[%mul3A_2] : memref<204800xi32, #tpu.memory_space<hbm>> -> memref<6400xi32, #tpu.memory_space<hbm>>
      tpu.enqueue_dma source(%dma_start3A_50 : memref<6400xi32, #tpu.memory_space<hbm>>) target(%arg6 : memref<6400xi32, #tpu.memory_space<vmem>>) target_semaphore(%run_scoped3A : memref<!tpu.dma_semaphore, #tpu.memory_space<semaphore_mem>>)
      %dma_wait3A_51 = tpu.memref_slice %arg2[%mul3A_2] : memref<204800xi32, #tpu.memory_space<hbm>> -> memref<6400xi32, #tpu.memory_space<hbm>>
      %dma_wait3A_52 = tpu.memref_slice %arg2[%mul3A_2] : memref<204800xi32, #tpu.memory_space<hbm>> -> memref<6400xi32, #tpu.memory_space<hbm>>
      tpu.wait_dma2 semaphore(%run_scoped3A : memref<!tpu.dma_semaphore, #tpu.memory_space<semaphore_mem>>) src(%dma_wait3A_52 : memref<6400xi32, #tpu.memory_space<hbm>>) dst(%arg6 : memref<6400xi32, #tpu.memory_space<vmem>>)
      tpu.yield
    }) : () -> ()
    "tpu.region"() ({
      %run_scoped3A = tpu.sem_alloc : memref<!tpu.dma_semaphore, #tpu.memory_space<semaphore_mem>>
      %dma_start3A_49 = tpu.memref_slice %arg3[%mul3A_2] : memref<204800xi32, #tpu.memory_space<hbm>> -> memref<6400xi32, #tpu.memory_space<hbm>>
      %dma_start3A_50 = tpu.memref_slice %arg3[%mul3A_2] : memref<204800xi32, #tpu.memory_space<hbm>> -> memref<6400xi32, #tpu.memory_space<hbm>>
      tpu.enqueue_dma source(%dma_start3A_50 : memref<6400xi32, #tpu.memory_space<hbm>>) target(%arg7 : memref<6400xi32, #tpu.memory_space<vmem>>) target_semaphore(%run_scoped3A : memref<!tpu.dma_semaphore, #tpu.memory_space<semaphore_mem>>)
      %dma_wait3A_51 = tpu.memref_slice %arg3[%mul3A_2] : memref<204800xi32, #tpu.memory_space<hbm>> -> memref<6400xi32, #tpu.memory_space<hbm>>
      %dma_wait3A_52 = tpu.memref_slice %arg3[%mul3A_2] : memref<204800xi32, #tpu.memory_space<hbm>> -> memref<6400xi32, #tpu.memory_space<hbm>>
      tpu.wait_dma2 semaphore(%run_scoped3A : memref<!tpu.dma_semaphore, #tpu.memory_space<semaphore_mem>>) src(%dma_wait3A_52 : memref<6400xi32, #tpu.memory_space<hbm>>) dst(%arg7 : memref<6400xi32, #tpu.memory_space<vmem>>)
      tpu.yield
    }) : () -> ()
    %iota3A = tpu.iota {dimensions = array<i32: 0>} : vector<16xi32>
    %scan3A = arith.constant 0 : i32
    %scan3A_3 = arith.constant 0 : i32
    %scan3A_4 = arith.constant 25 : i32
    %scan3A_5 = arith.addi %scan3A_3, %scan3A_4 : i32
    %scan3A_6 = arith.constant 1 : i32
    scf.for %scan3A_49 = %scan3A_3 to %scan3A_5 step %scan3A_6  : i32 {
      %mul3A_50 = arith.constant 4 : i32
      %mul3A_51 = arith.muli %mul3A_50, %scan3A_49 : i32
      %add3A_52 = arith.constant 0 : i32
      %add3A_53 = arith.addi %mul3A_51, %add3A_52 : i32
      %gt3A = arith.constant 0 : i32
      %gt3A_54 = arith.cmpi sgt, %scan3A_49, %gt3A : i32
      %convert_element_type3A = arith.extui %gt3A_54 : i1 to i32
      %cond3A = arith.constant 0 : i32
      %cond3A_55 = arith.cmpi ne, %convert_element_type3A, %cond3A : i32
      scf.if %cond3A_55 {
        %sub3A_484 = arith.constant 4 : i32
        %sub3A_485 = arith.subi %add3A_53, %sub3A_484 : i32
        %mul3A_486 = arith.constant 64 : i32
        %mul3A_487 = arith.muli %sub3A_485, %mul3A_486 : i32
        %add3A_488 = arith.addi %mul3A_2, %mul3A_487 : i32
        %mul3A_489 = arith.constant 2 : i32
        %mul3A_490 = arith.muli %mul3A_489, %add3A_488 : i32
        %dma_wait3A_491 = arith.constant 0 : i32
        %dma_wait3A_492 = tpu.memref_slice %arg5[%mul3A_490, %dma_wait3A_491] : memref<409600x128xf32, #tpu.memory_space<hbm>> -> memref<128x128xf32, #tpu.memory_space<hbm>>
        %dma_wait3A_493 = arith.constant 0 : i32
        %dma_wait3A_494 = tpu.memref_slice %arg5[%mul3A_490, %dma_wait3A_493] : memref<409600x128xf32, #tpu.memory_space<hbm>> -> memref<128x128xf32, #tpu.memory_space<hbm>>
        tpu.wait_dma2 semaphore(%arg20 : memref<!tpu.dma_semaphore, #tpu.memory_space<semaphore_mem>>) src(%arg12 : memref<128x128xf32, #tpu.memory_space<vmem>>) dst(%dma_wait3A_494 : memref<128x128xf32, #tpu.memory_space<hbm>>)
      } else {
      }
      %mul3A_56 = arith.constant 64 : i32
      %mul3A_57 = arith.muli %add3A_53, %mul3A_56 : i32
      %add3A_58 = arith.constant 0 : i32
      %add3A_59 = arith.addi %mul3A_57, %add3A_58 : i32
      %add3A_60 = arith.constant 0 : i32
      %add3A_61 = vector.broadcast %add3A_60 : i32 to vector<16xi32>
      %add3A_62 = arith.addi %add3A_61, %iota3A : vector<16xi32>
      %mul3A_63 = arith.constant 2 : i32
      %mul3A_64 = vector.broadcast %mul3A_63 : i32 to vector<16xi32>
      %mul3A_65 = arith.muli %mul3A_64, %add3A_62 : vector<16xi32>
      %get3A = arith.index_cast %add3A_59 : i32 to index
      %get3A_66 = tpu.vector_load %arg6[%get3A] {strides = array<i32>} : memref<6400xi32, #tpu.memory_space<vmem>>, vector<16xi32>,
      tpu.vector_store_idx %arg8[%mul3A_65], %get3A_66 : memref<128xi32, #tpu.memory_space<vmem>>[vector<16xi32>], vector<16xi32>,
      %add3A_67 = arith.constant 0 : i32
      %add3A_68 = vector.broadcast %add3A_67 : i32 to vector<16xi32>
      %add3A_69 = arith.addi %add3A_68, %iota3A : vector<16xi32>
      %mul3A_70 = arith.constant 2 : i32
      %mul3A_71 = vector.broadcast %mul3A_70 : i32 to vector<16xi32>
      %mul3A_72 = arith.muli %mul3A_71, %add3A_69 : vector<16xi32>
      %add3A_73 = arith.constant 1 : i32
      %add3A_74 = vector.broadcast %add3A_73 : i32 to vector<16xi32>
      %add3A_75 = arith.addi %mul3A_72, %add3A_74 : vector<16xi32>
      %get3A_76 = arith.index_cast %add3A_59 : i32 to index
      %get3A_77 = tpu.vector_load %arg7[%get3A_76] {strides = array<i32>} : memref<6400xi32, #tpu.memory_space<vmem>>, vector<16xi32>,
      tpu.vector_store_idx %arg8[%add3A_75], %get3A_77 : memref<128xi32, #tpu.memory_space<vmem>>[vector<16xi32>], vector<16xi32>,
      %add3A_78 = arith.constant 16 : i32
      %add3A_79 = arith.addi %mul3A_57, %add3A_78 : i32
      %add3A_80 = arith.constant 16 : i32
      %add3A_81 = vector.broadcast %add3A_80 : i32 to vector<16xi32>
      %add3A_82 = arith.addi %add3A_81, %iota3A : vector<16xi32>
      %mul3A_83 = arith.constant 2 : i32
      %mul3A_84 = vector.broadcast %mul3A_83 : i32 to vector<16xi32>
      %mul3A_85 = arith.muli %mul3A_84, %add3A_82 : vector<16xi32>
      %get3A_86 = arith.index_cast %add3A_79 : i32 to index
      %get3A_87 = tpu.vector_load %arg6[%get3A_86] {strides = array<i32>} : memref<6400xi32, #tpu.memory_space<vmem>>, vector<16xi32>,
      tpu.vector_store_idx %arg8[%mul3A_85], %get3A_87 : memref<128xi32, #tpu.memory_space<vmem>>[vector<16xi32>], vector<16xi32>,
      %add3A_88 = arith.constant 16 : i32
      %add3A_89 = vector.broadcast %add3A_88 : i32 to vector<16xi32>
      %add3A_90 = arith.addi %add3A_89, %iota3A : vector<16xi32>
      %mul3A_91 = arith.constant 2 : i32
      %mul3A_92 = vector.broadcast %mul3A_91 : i32 to vector<16xi32>
      %mul3A_93 = arith.muli %mul3A_92, %add3A_90 : vector<16xi32>
      %add3A_94 = arith.constant 1 : i32
      %add3A_95 = vector.broadcast %add3A_94 : i32 to vector<16xi32>
      %add3A_96 = arith.addi %mul3A_93, %add3A_95 : vector<16xi32>
      %get3A_97 = arith.index_cast %add3A_79 : i32 to index
      %get3A_98 = tpu.vector_load %arg7[%get3A_97] {strides = array<i32>} : memref<6400xi32, #tpu.memory_space<vmem>>, vector<16xi32>,
      tpu.vector_store_idx %arg8[%add3A_96], %get3A_98 : memref<128xi32, #tpu.memory_space<vmem>>[vector<16xi32>], vector<16xi32>,
      %add3A_99 = arith.constant 32 : i32
      %add3A_100 = arith.addi %mul3A_57, %add3A_99 : i32
      %add3A_101 = arith.constant 32 : i32
      %add3A_102 = vector.broadcast %add3A_101 : i32 to vector<16xi32>
      %add3A_103 = arith.addi %add3A_102, %iota3A : vector<16xi32>
      %mul3A_104 = arith.constant 2 : i32
      %mul3A_105 = vector.broadcast %mul3A_104 : i32 to vector<16xi32>
      %mul3A_106 = arith.muli %mul3A_105, %add3A_103 : vector<16xi32>
      %get3A_107 = arith.index_cast %add3A_100 : i32 to index
      %get3A_108 = tpu.vector_load %arg6[%get3A_107] {strides = array<i32>} : memref<6400xi32, #tpu.memory_space<vmem>>, vector<16xi32>,
      tpu.vector_store_idx %arg8[%mul3A_106], %get3A_108 : memref<128xi32, #tpu.memory_space<vmem>>[vector<16xi32>], vector<16xi32>,
      %add3A_109 = arith.constant 32 : i32
      %add3A_110 = vector.broadcast %add3A_109 : i32 to vector<16xi32>
      %add3A_111 = arith.addi %add3A_110, %iota3A : vector<16xi32>
      %mul3A_112 = arith.constant 2 : i32
      %mul3A_113 = vector.broadcast %mul3A_112 : i32 to vector<16xi32>
      %mul3A_114 = arith.muli %mul3A_113, %add3A_111 : vector<16xi32>
      %add3A_115 = arith.constant 1 : i32
      %add3A_116 = vector.broadcast %add3A_115 : i32 to vector<16xi32>
      %add3A_117 = arith.addi %mul3A_114, %add3A_116 : vector<16xi32>
      %get3A_118 = arith.index_cast %add3A_100 : i32 to index
      %get3A_119 = tpu.vector_load %arg7[%get3A_118] {strides = array<i32>} : memref<6400xi32, #tpu.memory_space<vmem>>, vector<16xi32>,
      tpu.vector_store_idx %arg8[%add3A_117], %get3A_119 : memref<128xi32, #tpu.memory_space<vmem>>[vector<16xi32>], vector<16xi32>,
      %add3A_120 = arith.constant 48 : i32
      %add3A_121 = arith.addi %mul3A_57, %add3A_120 : i32
      %add3A_122 = arith.constant 48 : i32
      %add3A_123 = vector.broadcast %add3A_122 : i32 to vector<16xi32>
      %add3A_124 = arith.addi %add3A_123, %iota3A : vector<16xi32>
      %mul3A_125 = arith.constant 2 : i32
      %mul3A_126 = vector.broadcast %mul3A_125 : i32 to vector<16xi32>
      %mul3A_127 = arith.muli %mul3A_126, %add3A_124 : vector<16xi32>
      %get3A_128 = arith.index_cast %add3A_121 : i32 to index
      %get3A_129 = tpu.vector_load %arg6[%get3A_128] {strides = array<i32>} : memref<6400xi32, #tpu.memory_space<vmem>>, vector<16xi32>,
      tpu.vector_store_idx %arg8[%mul3A_127], %get3A_129 : memref<128xi32, #tpu.memory_space<vmem>>[vector<16xi32>], vector<16xi32>,
      %add3A_130 = arith.constant 48 : i32
      %add3A_131 = vector.broadcast %add3A_130 : i32 to vector<16xi32>
      %add3A_132 = arith.addi %add3A_131, %iota3A : vector<16xi32>
      %mul3A_133 = arith.constant 2 : i32
      %mul3A_134 = vector.broadcast %mul3A_133 : i32 to vector<16xi32>
      %mul3A_135 = arith.muli %mul3A_134, %add3A_132 : vector<16xi32>
      %add3A_136 = arith.constant 1 : i32
      %add3A_137 = vector.broadcast %add3A_136 : i32 to vector<16xi32>
      %add3A_138 = arith.addi %mul3A_135, %add3A_137 : vector<16xi32>
      %get3A_139 = arith.index_cast %add3A_121 : i32 to index
      %get3A_140 = tpu.vector_load %arg7[%get3A_139] {strides = array<i32>} : memref<6400xi32, #tpu.memory_space<vmem>>, vector<16xi32>,
      tpu.vector_store_idx %arg8[%add3A_138], %get3A_140 : memref<128xi32, #tpu.memory_space<vmem>>[vector<16xi32>], vector<16xi32>,
      %dma_start3A_141 = arith.constant 0 : i32
      %dma_start3A_142 = arith.constant 0 : i32
      %dma_start3A_143 = tpu.memref_slice %arg4[%dma_start3A_141, %dma_start3A_142] : memref<4096x128xf32, #tpu.memory_space<hbm>> -> memref<4096x128xf32, #tpu.memory_space<hbm>>
      tpu.enqueue_indirect_dma source(%dma_start3A_143 : memref<4096x128xf32, #tpu.memory_space<hbm>>) target(%arg12 : memref<128x128xf32, #tpu.memory_space<vmem>>) offsets(%arg8 : memref<128xi32, #tpu.memory_space<vmem>>) semaphore(%arg16 : memref<!tpu.dma_semaphore, #tpu.memory_space<semaphore_mem>>)
      %gt3A_144 = arith.constant 0 : i32
      %gt3A_145 = arith.cmpi sgt, %scan3A_49, %gt3A_144 : i32
      %convert_element_type3A_146 = arith.extui %gt3A_145 : i1 to i32
      %cond3A_147 = arith.constant 0 : i32
      %cond3A_148 = arith.cmpi ne, %convert_element_type3A_146, %cond3A_147 : i32
      scf.if %cond3A_148 {
        %sub3A_484 = arith.constant 1 : i32
        %sub3A_485 = arith.subi %add3A_53, %sub3A_484 : i32
        %dma_wait3A_486 = arith.constant 0 : i32
        %dma_wait3A_487 = arith.constant 0 : i32
        %dma_wait3A_488 = tpu.memref_slice %arg4[%dma_wait3A_486, %dma_wait3A_487] : memref<4096x128xf32, #tpu.memory_space<hbm>> -> memref<4096x128xf32, #tpu.memory_space<hbm>>
        tpu.wait_indirect_dma semaphore(%arg19 : memref<!tpu.dma_semaphore, #tpu.memory_space<semaphore_mem>>) src(%dma_wait3A_488 : memref<4096x128xf32, #tpu.memory_space<hbm>>) dst(%arg15 : memref<128x128xf32, #tpu.memory_space<vmem>>)
        %mul3A_489 = arith.constant 64 : i32
        %mul3A_490 = arith.muli %sub3A_485, %mul3A_489 : i32
        %add3A_491 = arith.addi %mul3A_2, %mul3A_490 : i32
        %mul3A_492 = arith.constant 2 : i32
        %mul3A_493 = arith.muli %mul3A_492, %add3A_491 : i32
        %dma_start3A_494 = arith.constant 0 : i32
        %dma_start3A_495 = tpu.memref_slice %arg5[%mul3A_493, %dma_start3A_494] : memref<409600x128xf32, #tpu.memory_space<hbm>> -> memref<128x128xf32, #tpu.memory_space<hbm>>
        %dma_start3A_496 = arith.constant 0 : i32
        %dma_start3A_497 = tpu.memref_slice %arg5[%mul3A_493, %dma_start3A_496] : memref<409600x128xf32, #tpu.memory_space<hbm>> -> memref<128x128xf32, #tpu.memory_space<hbm>>
        tpu.enqueue_dma source(%arg15 : memref<128x128xf32, #tpu.memory_space<vmem>>) target(%dma_start3A_497 : memref<128x128xf32, #tpu.memory_space<hbm>>) target_semaphore(%arg23 : memref<!tpu.dma_semaphore, #tpu.memory_space<semaphore_mem>>)
      } else {
      }
      %mul3A_149 = arith.constant 4 : i32
      %mul3A_150 = arith.muli %mul3A_149, %scan3A_49 : i32
      %add3A_151 = arith.constant 1 : i32
      %add3A_152 = arith.addi %mul3A_150, %add3A_151 : i32
      %gt3A_153 = arith.constant 0 : i32
      %gt3A_154 = arith.cmpi sgt, %scan3A_49, %gt3A_153 : i32
      %convert_element_type3A_155 = arith.extui %gt3A_154 : i1 to i32
      %cond3A_156 = arith.constant 0 : i32
      %cond3A_157 = arith.cmpi ne, %convert_element_type3A_155, %cond3A_156 : i32
      scf.if %cond3A_157 {
        %sub3A_484 = arith.constant 4 : i32
        %sub3A_485 = arith.subi %add3A_152, %sub3A_484 : i32
        %mul3A_486 = arith.constant 64 : i32
        %mul3A_487 = arith.muli %sub3A_485, %mul3A_486 : i32
        %add3A_488 = arith.addi %mul3A_2, %mul3A_487 : i32
        %mul3A_489 = arith.constant 2 : i32
        %mul3A_490 = arith.muli %mul3A_489, %add3A_488 : i32
        %dma_wait3A_491 = arith.constant 0 : i32
        %dma_wait3A_492 = tpu.memref_slice %arg5[%mul3A_490, %dma_wait3A_491] : memref<409600x128xf32, #tpu.memory_space<hbm>> -> memref<128x128xf32, #tpu.memory_space<hbm>>
        %dma_wait3A_493 = arith.constant 0 : i32
        %dma_wait3A_494 = tpu.memref_slice %arg5[%mul3A_490, %dma_wait3A_493] : memref<409600x128xf32, #tpu.memory_space<hbm>> -> memref<128x128xf32, #tpu.memory_space<hbm>>
        tpu.wait_dma2 semaphore(%arg21 : memref<!tpu.dma_semaphore, #tpu.memory_space<semaphore_mem>>) src(%arg13 : memref<128x128xf32, #tpu.memory_space<vmem>>) dst(%dma_wait3A_494 : memref<128x128xf32, #tpu.memory_space<hbm>>)
      } else {
      }
      %mul3A_158 = arith.constant 64 : i32
      %mul3A_159 = arith.muli %add3A_152, %mul3A_158 : i32
      %add3A_160 = arith.constant 0 : i32
      %add3A_161 = arith.addi %mul3A_159, %add3A_160 : i32
      %add3A_162 = arith.constant 0 : i32
      %add3A_163 = vector.broadcast %add3A_162 : i32 to vector<16xi32>
      %add3A_164 = arith.addi %add3A_163, %iota3A : vector<16xi32>
      %mul3A_165 = arith.constant 2 : i32
      %mul3A_166 = vector.broadcast %mul3A_165 : i32 to vector<16xi32>
      %mul3A_167 = arith.muli %mul3A_166, %add3A_164 : vector<16xi32>
      %get3A_168 = arith.index_cast %add3A_161 : i32 to index
      %get3A_169 = tpu.vector_load %arg6[%get3A_168] {strides = array<i32>} : memref<6400xi32, #tpu.memory_space<vmem>>, vector<16xi32>,
      tpu.vector_store_idx %arg9[%mul3A_167], %get3A_169 : memref<128xi32, #tpu.memory_space<vmem>>[vector<16xi32>], vector<16xi32>,
      %add3A_170 = arith.constant 0 : i32
      %add3A_171 = vector.broadcast %add3A_170 : i32 to vector<16xi32>
      %add3A_172 = arith.addi %add3A_171, %iota3A : vector<16xi32>
      %mul3A_173 = arith.constant 2 : i32
      %mul3A_174 = vector.broadcast %mul3A_173 : i32 to vector<16xi32>
      %mul3A_175 = arith.muli %mul3A_174, %add3A_172 : vector<16xi32>
      %add3A_176 = arith.constant 1 : i32
      %add3A_177 = vector.broadcast %add3A_176 : i32 to vector<16xi32>
      %add3A_178 = arith.addi %mul3A_175, %add3A_177 : vector<16xi32>
      %get3A_179 = arith.index_cast %add3A_161 : i32 to index
      %get3A_180 = tpu.vector_load %arg7[%get3A_179] {strides = array<i32>} : memref<6400xi32, #tpu.memory_space<vmem>>, vector<16xi32>,
      tpu.vector_store_idx %arg9[%add3A_178], %get3A_180 : memref<128xi32, #tpu.memory_space<vmem>>[vector<16xi32>], vector<16xi32>,
      %add3A_181 = arith.constant 16 : i32
      %add3A_182 = arith.addi %mul3A_159, %add3A_181 : i32
      %add3A_183 = arith.constant 16 : i32
      %add3A_184 = vector.broadcast %add3A_183 : i32 to vector<16xi32>
      %add3A_185 = arith.addi %add3A_184, %iota3A : vector<16xi32>
      %mul3A_186 = arith.constant 2 : i32
      %mul3A_187 = vector.broadcast %mul3A_186 : i32 to vector<16xi32>
      %mul3A_188 = arith.muli %mul3A_187, %add3A_185 : vector<16xi32>
      %get3A_189 = arith.index_cast %add3A_182 : i32 to index
      %get3A_190 = tpu.vector_load %arg6[%get3A_189] {strides = array<i32>} : memref<6400xi32, #tpu.memory_space<vmem>>, vector<16xi32>,
      tpu.vector_store_idx %arg9[%mul3A_188], %get3A_190 : memref<128xi32, #tpu.memory_space<vmem>>[vector<16xi32>], vector<16xi32>,
      %add3A_191 = arith.constant 16 : i32
      %add3A_192 = vector.broadcast %add3A_191 : i32 to vector<16xi32>
      %add3A_193 = arith.addi %add3A_192, %iota3A : vector<16xi32>
      %mul3A_194 = arith.constant 2 : i32
      %mul3A_195 = vector.broadcast %mul3A_194 : i32 to vector<16xi32>
      %mul3A_196 = arith.muli %mul3A_195, %add3A_193 : vector<16xi32>
      %add3A_197 = arith.constant 1 : i32
      %add3A_198 = vector.broadcast %add3A_197 : i32 to vector<16xi32>
      %add3A_199 = arith.addi %mul3A_196, %add3A_198 : vector<16xi32>
      %get3A_200 = arith.index_cast %add3A_182 : i32 to index
      %get3A_201 = tpu.vector_load %arg7[%get3A_200] {strides = array<i32>} : memref<6400xi32, #tpu.memory_space<vmem>>, vector<16xi32>,
      tpu.vector_store_idx %arg9[%add3A_199], %get3A_201 : memref<128xi32, #tpu.memory_space<vmem>>[vector<16xi32>], vector<16xi32>,
      %add3A_202 = arith.constant 32 : i32
      %add3A_203 = arith.addi %mul3A_159, %add3A_202 : i32
      %add3A_204 = arith.constant 32 : i32
      %add3A_205 = vector.broadcast %add3A_204 : i32 to vector<16xi32>
      %add3A_206 = arith.addi %add3A_205, %iota3A : vector<16xi32>
      %mul3A_207 = arith.constant 2 : i32
      %mul3A_208 = vector.broadcast %mul3A_207 : i32 to vector<16xi32>
      %mul3A_209 = arith.muli %mul3A_208, %add3A_206 : vector<16xi32>
      %get3A_210 = arith.index_cast %add3A_203 : i32 to index
      %get3A_211 = tpu.vector_load %arg6[%get3A_210] {strides = array<i32>} : memref<6400xi32, #tpu.memory_space<vmem>>, vector<16xi32>,
      tpu.vector_store_idx %arg9[%mul3A_209], %get3A_211 : memref<128xi32, #tpu.memory_space<vmem>>[vector<16xi32>], vector<16xi32>,
      %add3A_212 = arith.constant 32 : i32
      %add3A_213 = vector.broadcast %add3A_212 : i32 to vector<16xi32>
      %add3A_214 = arith.addi %add3A_213, %iota3A : vector<16xi32>
      %mul3A_215 = arith.constant 2 : i32
      %mul3A_216 = vector.broadcast %mul3A_215 : i32 to vector<16xi32>
      %mul3A_217 = arith.muli %mul3A_216, %add3A_214 : vector<16xi32>
      %add3A_218 = arith.constant 1 : i32
      %add3A_219 = vector.broadcast %add3A_218 : i32 to vector<16xi32>
      %add3A_220 = arith.addi %mul3A_217, %add3A_219 : vector<16xi32>
      %get3A_221 = arith.index_cast %add3A_203 : i32 to index
      %get3A_222 = tpu.vector_load %arg7[%get3A_221] {strides = array<i32>} : memref<6400xi32, #tpu.memory_space<vmem>>, vector<16xi32>,
      tpu.vector_store_idx %arg9[%add3A_220], %get3A_222 : memref<128xi32, #tpu.memory_space<vmem>>[vector<16xi32>], vector<16xi32>,
      %add3A_223 = arith.constant 48 : i32
      %add3A_224 = arith.addi %mul3A_159, %add3A_223 : i32
      %add3A_225 = arith.constant 48 : i32
      %add3A_226 = vector.broadcast %add3A_225 : i32 to vector<16xi32>
      %add3A_227 = arith.addi %add3A_226, %iota3A : vector<16xi32>
      %mul3A_228 = arith.constant 2 : i32
      %mul3A_229 = vector.broadcast %mul3A_228 : i32 to vector<16xi32>
      %mul3A_230 = arith.muli %mul3A_229, %add3A_227 : vector<16xi32>
      %get3A_231 = arith.index_cast %add3A_224 : i32 to index
      %get3A_232 = tpu.vector_load %arg6[%get3A_231] {strides = array<i32>} : memref<6400xi32, #tpu.memory_space<vmem>>, vector<16xi32>,
      tpu.vector_store_idx %arg9[%mul3A_230], %get3A_232 : memref<128xi32, #tpu.memory_space<vmem>>[vector<16xi32>], vector<16xi32>,
      %add3A_233 = arith.constant 48 : i32
      %add3A_234 = vector.broadcast %add3A_233 : i32 to vector<16xi32>
      %add3A_235 = arith.addi %add3A_234, %iota3A : vector<16xi32>
      %mul3A_236 = arith.constant 2 : i32
      %mul3A_237 = vector.broadcast %mul3A_236 : i32 to vector<16xi32>
      %mul3A_238 = arith.muli %mul3A_237, %add3A_235 : vector<16xi32>
      %add3A_239 = arith.constant 1 : i32
      %add3A_240 = vector.broadcast %add3A_239 : i32 to vector<16xi32>
      %add3A_241 = arith.addi %mul3A_238, %add3A_240 : vector<16xi32>
      %get3A_242 = arith.index_cast %add3A_224 : i32 to index
      %get3A_243 = tpu.vector_load %arg7[%get3A_242] {strides = array<i32>} : memref<6400xi32, #tpu.memory_space<vmem>>, vector<16xi32>,
      tpu.vector_store_idx %arg9[%add3A_241], %get3A_243 : memref<128xi32, #tpu.memory_space<vmem>>[vector<16xi32>], vector<16xi32>,
      %dma_start3A_244 = arith.constant 0 : i32
      %dma_start3A_245 = arith.constant 0 : i32
      %dma_start3A_246 = tpu.memref_slice %arg4[%dma_start3A_244, %dma_start3A_245] : memref<4096x128xf32, #tpu.memory_space<hbm>> -> memref<4096x128xf32, #tpu.memory_space<hbm>>
      tpu.enqueue_indirect_dma source(%dma_start3A_246 : memref<4096x128xf32, #tpu.memory_space<hbm>>) target(%arg13 : memref<128x128xf32, #tpu.memory_space<vmem>>) offsets(%arg9 : memref<128xi32, #tpu.memory_space<vmem>>) semaphore(%arg17 : memref<!tpu.dma_semaphore, #tpu.memory_space<semaphore_mem>>)
      %sub3A = arith.constant 1 : i32
      %sub3A_247 = arith.subi %add3A_152, %sub3A : i32
      %dma_wait3A_248 = arith.constant 0 : i32
      %dma_wait3A_249 = arith.constant 0 : i32
      %dma_wait3A_250 = tpu.memref_slice %arg4[%dma_wait3A_248, %dma_wait3A_249] : memref<4096x128xf32, #tpu.memory_space<hbm>> -> memref<4096x128xf32, #tpu.memory_space<hbm>>
      tpu.wait_indirect_dma semaphore(%arg16 : memref<!tpu.dma_semaphore, #tpu.memory_space<semaphore_mem>>) src(%dma_wait3A_250 : memref<4096x128xf32, #tpu.memory_space<hbm>>) dst(%arg12 : memref<128x128xf32, #tpu.memory_space<vmem>>)
      %mul3A_251 = arith.constant 64 : i32
      %mul3A_252 = arith.muli %sub3A_247, %mul3A_251 : i32
      %add3A_253 = arith.addi %mul3A_2, %mul3A_252 : i32
      %mul3A_254 = arith.constant 2 : i32
      %mul3A_255 = arith.muli %mul3A_254, %add3A_253 : i32
      %dma_start3A_256 = arith.constant 0 : i32
      %dma_start3A_257 = tpu.memref_slice %arg5[%mul3A_255, %dma_start3A_256] : memref<409600x128xf32, #tpu.memory_space<hbm>> -> memref<128x128xf32, #tpu.memory_space<hbm>>
      %dma_start3A_258 = arith.constant 0 : i32
      %dma_start3A_259 = tpu.memref_slice %arg5[%mul3A_255, %dma_start3A_258] : memref<409600x128xf32, #tpu.memory_space<hbm>> -> memref<128x128xf32, #tpu.memory_space<hbm>>
      tpu.enqueue_dma source(%arg12 : memref<128x128xf32, #tpu.memory_space<vmem>>) target(%dma_start3A_259 : memref<128x128xf32, #tpu.memory_space<hbm>>) target_semaphore(%arg20 : memref<!tpu.dma_semaphore, #tpu.memory_space<semaphore_mem>>)
      %mul3A_260 = arith.constant 4 : i32
      %mul3A_261 = arith.muli %mul3A_260, %scan3A_49 : i32
      %add3A_262 = arith.constant 2 : i32
      %add3A_263 = arith.addi %mul3A_261, %add3A_262 : i32
      %gt3A_264 = arith.constant 0 : i32
      %gt3A_265 = arith.cmpi sgt, %scan3A_49, %gt3A_264 : i32
      %convert_element_type3A_266 = arith.extui %gt3A_265 : i1 to i32
      %cond3A_267 = arith.constant 0 : i32
      %cond3A_268 = arith.cmpi ne, %convert_element_type3A_266, %cond3A_267 : i32
      scf.if %cond3A_268 {
        %sub3A_484 = arith.constant 4 : i32
        %sub3A_485 = arith.subi %add3A_263, %sub3A_484 : i32
        %mul3A_486 = arith.constant 64 : i32
        %mul3A_487 = arith.muli %sub3A_485, %mul3A_486 : i32
        %add3A_488 = arith.addi %mul3A_2, %mul3A_487 : i32
        %mul3A_489 = arith.constant 2 : i32
        %mul3A_490 = arith.muli %mul3A_489, %add3A_488 : i32
        %dma_wait3A_491 = arith.constant 0 : i32
        %dma_wait3A_492 = tpu.memref_slice %arg5[%mul3A_490, %dma_wait3A_491] : memref<409600x128xf32, #tpu.memory_space<hbm>> -> memref<128x128xf32, #tpu.memory_space<hbm>>
        %dma_wait3A_493 = arith.constant 0 : i32
        %dma_wait3A_494 = tpu.memref_slice %arg5[%mul3A_490, %dma_wait3A_493] : memref<409600x128xf32, #tpu.memory_space<hbm>> -> memref<128x128xf32, #tpu.memory_space<hbm>>
        tpu.wait_dma2 semaphore(%arg22 : memref<!tpu.dma_semaphore, #tpu.memory_space<semaphore_mem>>) src(%arg14 : memref<128x128xf32, #tpu.memory_space<vmem>>) dst(%dma_wait3A_494 : memref<128x128xf32, #tpu.memory_space<hbm>>)
      } else {
      }
      %mul3A_269 = arith.constant 64 : i32
      %mul3A_270 = arith.muli %add3A_263, %mul3A_269 : i32
      %add3A_271 = arith.constant 0 : i32
      %add3A_272 = arith.addi %mul3A_270, %add3A_271 : i32
      %add3A_273 = arith.constant 0 : i32
      %add3A_274 = vector.broadcast %add3A_273 : i32 to vector<16xi32>
      %add3A_275 = arith.addi %add3A_274, %iota3A : vector<16xi32>
      %mul3A_276 = arith.constant 2 : i32
      %mul3A_277 = vector.broadcast %mul3A_276 : i32 to vector<16xi32>
      %mul3A_278 = arith.muli %mul3A_277, %add3A_275 : vector<16xi32>
      %get3A_279 = arith.index_cast %add3A_272 : i32 to index
      %get3A_280 = tpu.vector_load %arg6[%get3A_279] {strides = array<i32>} : memref<6400xi32, #tpu.memory_space<vmem>>, vector<16xi32>,
      tpu.vector_store_idx %arg10[%mul3A_278], %get3A_280 : memref<128xi32, #tpu.memory_space<vmem>>[vector<16xi32>], vector<16xi32>,
      %add3A_281 = arith.constant 0 : i32
      %add3A_282 = vector.broadcast %add3A_281 : i32 to vector<16xi32>
      %add3A_283 = arith.addi %add3A_282, %iota3A : vector<16xi32>
      %mul3A_284 = arith.constant 2 : i32
      %mul3A_285 = vector.broadcast %mul3A_284 : i32 to vector<16xi32>
      %mul3A_286 = arith.muli %mul3A_285, %add3A_283 : vector<16xi32>
      %add3A_287 = arith.constant 1 : i32
      %add3A_288 = vector.broadcast %add3A_287 : i32 to vector<16xi32>
      %add3A_289 = arith.addi %mul3A_286, %add3A_288 : vector<16xi32>
      %get3A_290 = arith.index_cast %add3A_272 : i32 to index
      %get3A_291 = tpu.vector_load %arg7[%get3A_290] {strides = array<i32>} : memref<6400xi32, #tpu.memory_space<vmem>>, vector<16xi32>,
      tpu.vector_store_idx %arg10[%add3A_289], %get3A_291 : memref<128xi32, #tpu.memory_space<vmem>>[vector<16xi32>], vector<16xi32>,
      %add3A_292 = arith.constant 16 : i32
      %add3A_293 = arith.addi %mul3A_270, %add3A_292 : i32
      %add3A_294 = arith.constant 16 : i32
      %add3A_295 = vector.broadcast %add3A_294 : i32 to vector<16xi32>
      %add3A_296 = arith.addi %add3A_295, %iota3A : vector<16xi32>
      %mul3A_297 = arith.constant 2 : i32
      %mul3A_298 = vector.broadcast %mul3A_297 : i32 to vector<16xi32>
      %mul3A_299 = arith.muli %mul3A_298, %add3A_296 : vector<16xi32>
      %get3A_300 = arith.index_cast %add3A_293 : i32 to index
      %get3A_301 = tpu.vector_load %arg6[%get3A_300] {strides = array<i32>} : memref<6400xi32, #tpu.memory_space<vmem>>, vector<16xi32>,
      tpu.vector_store_idx %arg10[%mul3A_299], %get3A_301 : memref<128xi32, #tpu.memory_space<vmem>>[vector<16xi32>], vector<16xi32>,
      %add3A_302 = arith.constant 16 : i32
      %add3A_303 = vector.broadcast %add3A_302 : i32 to vector<16xi32>
      %add3A_304 = arith.addi %add3A_303, %iota3A : vector<16xi32>
      %mul3A_305 = arith.constant 2 : i32
      %mul3A_306 = vector.broadcast %mul3A_305 : i32 to vector<16xi32>
      %mul3A_307 = arith.muli %mul3A_306, %add3A_304 : vector<16xi32>
      %add3A_308 = arith.constant 1 : i32
      %add3A_309 = vector.broadcast %add3A_308 : i32 to vector<16xi32>
      %add3A_310 = arith.addi %mul3A_307, %add3A_309 : vector<16xi32>
      %get3A_311 = arith.index_cast %add3A_293 : i32 to index
      %get3A_312 = tpu.vector_load %arg7[%get3A_311] {strides = array<i32>} : memref<6400xi32, #tpu.memory_space<vmem>>, vector<16xi32>,
      tpu.vector_store_idx %arg10[%add3A_310], %get3A_312 : memref<128xi32, #tpu.memory_space<vmem>>[vector<16xi32>], vector<16xi32>,
      %add3A_313 = arith.constant 32 : i32
      %add3A_314 = arith.addi %mul3A_270, %add3A_313 : i32
      %add3A_315 = arith.constant 32 : i32
      %add3A_316 = vector.broadcast %add3A_315 : i32 to vector<16xi32>
      %add3A_317 = arith.addi %add3A_316, %iota3A : vector<16xi32>
      %mul3A_318 = arith.constant 2 : i32
      %mul3A_319 = vector.broadcast %mul3A_318 : i32 to vector<16xi32>
      %mul3A_320 = arith.muli %mul3A_319, %add3A_317 : vector<16xi32>
      %get3A_321 = arith.index_cast %add3A_314 : i32 to index
      %get3A_322 = tpu.vector_load %arg6[%get3A_321] {strides = array<i32>} : memref<6400xi32, #tpu.memory_space<vmem>>, vector<16xi32>,
      tpu.vector_store_idx %arg10[%mul3A_320], %get3A_322 : memref<128xi32, #tpu.memory_space<vmem>>[vector<16xi32>], vector<16xi32>,
      %add3A_323 = arith.constant 32 : i32
      %add3A_324 = vector.broadcast %add3A_323 : i32 to vector<16xi32>
      %add3A_325 = arith.addi %add3A_324, %iota3A : vector<16xi32>
      %mul3A_326 = arith.constant 2 : i32
      %mul3A_327 = vector.broadcast %mul3A_326 : i32 to vector<16xi32>
      %mul3A_328 = arith.muli %mul3A_327, %add3A_325 : vector<16xi32>
      %add3A_329 = arith.constant 1 : i32
      %add3A_330 = vector.broadcast %add3A_329 : i32 to vector<16xi32>
      %add3A_331 = arith.addi %mul3A_328, %add3A_330 : vector<16xi32>
      %get3A_332 = arith.index_cast %add3A_314 : i32 to index
      %get3A_333 = tpu.vector_load %arg7[%get3A_332] {strides = array<i32>} : memref<6400xi32, #tpu.memory_space<vmem>>, vector<16xi32>,
      tpu.vector_store_idx %arg10[%add3A_331], %get3A_333 : memref<128xi32, #tpu.memory_space<vmem>>[vector<16xi32>], vector<16xi32>,
      %add3A_334 = arith.constant 48 : i32
      %add3A_335 = arith.addi %mul3A_270, %add3A_334 : i32
      %add3A_336 = arith.constant 48 : i32
      %add3A_337 = vector.broadcast %add3A_336 : i32 to vector<16xi32>
      %add3A_338 = arith.addi %add3A_337, %iota3A : vector<16xi32>
      %mul3A_339 = arith.constant 2 : i32
      %mul3A_340 = vector.broadcast %mul3A_339 : i32 to vector<16xi32>
      %mul3A_341 = arith.muli %mul3A_340, %add3A_338 : vector<16xi32>
      %get3A_342 = arith.index_cast %add3A_335 : i32 to index
      %get3A_343 = tpu.vector_load %arg6[%get3A_342] {strides = array<i32>} : memref<6400xi32, #tpu.memory_space<vmem>>, vector<16xi32>,
      tpu.vector_store_idx %arg10[%mul3A_341], %get3A_343 : memref<128xi32, #tpu.memory_space<vmem>>[vector<16xi32>], vector<16xi32>,
      %add3A_344 = arith.constant 48 : i32
      %add3A_345 = vector.broadcast %add3A_344 : i32 to vector<16xi32>
      %add3A_346 = arith.addi %add3A_345, %iota3A : vector<16xi32>
      %mul3A_347 = arith.constant 2 : i32
      %mul3A_348 = vector.broadcast %mul3A_347 : i32 to vector<16xi32>
      %mul3A_349 = arith.muli %mul3A_348, %add3A_346 : vector<16xi32>
      %add3A_350 = arith.constant 1 : i32
      %add3A_351 = vector.broadcast %add3A_350 : i32 to vector<16xi32>
      %add3A_352 = arith.addi %mul3A_349, %add3A_351 : vector<16xi32>
      %get3A_353 = arith.index_cast %add3A_335 : i32 to index
      %get3A_354 = tpu.vector_load %arg7[%get3A_353] {strides = array<i32>} : memref<6400xi32, #tpu.memory_space<vmem>>, vector<16xi32>,
      tpu.vector_store_idx %arg10[%add3A_352], %get3A_354 : memref<128xi32, #tpu.memory_space<vmem>>[vector<16xi32>], vector<16xi32>,
      %dma_start3A_355 = arith.constant 0 : i32
      %dma_start3A_356 = arith.constant 0 : i32
      %dma_start3A_357 = tpu.memref_slice %arg4[%dma_start3A_355, %dma_start3A_356] : memref<4096x128xf32, #tpu.memory_space<hbm>> -> memref<4096x128xf32, #tpu.memory_space<hbm>>
      tpu.enqueue_indirect_dma source(%dma_start3A_357 : memref<4096x128xf32, #tpu.memory_space<hbm>>) target(%arg14 : memref<128x128xf32, #tpu.memory_space<vmem>>) offsets(%arg10 : memref<128xi32, #tpu.memory_space<vmem>>) semaphore(%arg18 : memref<!tpu.dma_semaphore, #tpu.memory_space<semaphore_mem>>)
      %sub3A_358 = arith.constant 1 : i32
      %sub3A_359 = arith.subi %add3A_263, %sub3A_358 : i32
      %dma_wait3A_360 = arith.constant 0 : i32
      %dma_wait3A_361 = arith.constant 0 : i32
      %dma_wait3A_362 = tpu.memref_slice %arg4[%dma_wait3A_360, %dma_wait3A_361] : memref<4096x128xf32, #tpu.memory_space<hbm>> -> memref<4096x128xf32, #tpu.memory_space<hbm>>
      tpu.wait_indirect_dma semaphore(%arg17 : memref<!tpu.dma_semaphore, #tpu.memory_space<semaphore_mem>>) src(%dma_wait3A_362 : memref<4096x128xf32, #tpu.memory_space<hbm>>) dst(%arg13 : memref<128x128xf32, #tpu.memory_space<vmem>>)
      %mul3A_363 = arith.constant 64 : i32
      %mul3A_364 = arith.muli %sub3A_359, %mul3A_363 : i32
      %add3A_365 = arith.addi %mul3A_2, %mul3A_364 : i32
      %mul3A_366 = arith.constant 2 : i32
      %mul3A_367 = arith.muli %mul3A_366, %add3A_365 : i32
      %dma_start3A_368 = arith.constant 0 : i32
      %dma_start3A_369 = tpu.memref_slice %arg5[%mul3A_367, %dma_start3A_368] : memref<409600x128xf32, #tpu.memory_space<hbm>> -> memref<128x128xf32, #tpu.memory_space<hbm>>
      %dma_start3A_370 = arith.constant 0 : i32
      %dma_start3A_371 = tpu.memref_slice %arg5[%mul3A_367, %dma_start3A_370] : memref<409600x128xf32, #tpu.memory_space<hbm>> -> memref<128x128xf32, #tpu.memory_space<hbm>>
      tpu.enqueue_dma source(%arg13 : memref<128x128xf32, #tpu.memory_space<vmem>>) target(%dma_start3A_371 : memref<128x128xf32, #tpu.memory_space<hbm>>) target_semaphore(%arg21 : memref<!tpu.dma_semaphore, #tpu.memory_space<semaphore_mem>>)
      %mul3A_372 = arith.constant 4 : i32
      %mul3A_373 = arith.muli %mul3A_372, %scan3A_49 : i32
      %add3A_374 = arith.constant 3 : i32
      %add3A_375 = arith.addi %mul3A_373, %add3A_374 : i32
      %gt3A_376 = arith.constant 0 : i32
      %gt3A_377 = arith.cmpi sgt, %scan3A_49, %gt3A_376 : i32
      %convert_element_type3A_378 = arith.extui %gt3A_377 : i1 to i32
      %cond3A_379 = arith.constant 0 : i32
      %cond3A_380 = arith.cmpi ne, %convert_element_type3A_378, %cond3A_379 : i32
      scf.if %cond3A_380 {
        %sub3A_484 = arith.constant 4 : i32
        %sub3A_485 = arith.subi %add3A_375, %sub3A_484 : i32
        %mul3A_486 = arith.constant 64 : i32
        %mul3A_487 = arith.muli %sub3A_485, %mul3A_486 : i32
        %add3A_488 = arith.addi %mul3A_2, %mul3A_487 : i32
        %mul3A_489 = arith.constant 2 : i32
        %mul3A_490 = arith.muli %mul3A_489, %add3A_488 : i32
        %dma_wait3A_491 = arith.constant 0 : i32
        %dma_wait3A_492 = tpu.memref_slice %arg5[%mul3A_490, %dma_wait3A_491] : memref<409600x128xf32, #tpu.memory_space<hbm>> -> memref<128x128xf32, #tpu.memory_space<hbm>>
        %dma_wait3A_493 = arith.constant 0 : i32
        %dma_wait3A_494 = tpu.memref_slice %arg5[%mul3A_490, %dma_wait3A_493] : memref<409600x128xf32, #tpu.memory_space<hbm>> -> memref<128x128xf32, #tpu.memory_space<hbm>>
        tpu.wait_dma2 semaphore(%arg23 : memref<!tpu.dma_semaphore, #tpu.memory_space<semaphore_mem>>) src(%arg15 : memref<128x128xf32, #tpu.memory_space<vmem>>) dst(%dma_wait3A_494 : memref<128x128xf32, #tpu.memory_space<hbm>>)
      } else {
      }
      %mul3A_381 = arith.constant 64 : i32
      %mul3A_382 = arith.muli %add3A_375, %mul3A_381 : i32
      %add3A_383 = arith.constant 0 : i32
      %add3A_384 = arith.addi %mul3A_382, %add3A_383 : i32
      %add3A_385 = arith.constant 0 : i32
      %add3A_386 = vector.broadcast %add3A_385 : i32 to vector<16xi32>
      %add3A_387 = arith.addi %add3A_386, %iota3A : vector<16xi32>
      %mul3A_388 = arith.constant 2 : i32
      %mul3A_389 = vector.broadcast %mul3A_388 : i32 to vector<16xi32>
      %mul3A_390 = arith.muli %mul3A_389, %add3A_387 : vector<16xi32>
      %get3A_391 = arith.index_cast %add3A_384 : i32 to index
      %get3A_392 = tpu.vector_load %arg6[%get3A_391] {strides = array<i32>} : memref<6400xi32, #tpu.memory_space<vmem>>, vector<16xi32>,
      tpu.vector_store_idx %arg11[%mul3A_390], %get3A_392 : memref<128xi32, #tpu.memory_space<vmem>>[vector<16xi32>], vector<16xi32>,
      %add3A_393 = arith.constant 0 : i32
      %add3A_394 = vector.broadcast %add3A_393 : i32 to vector<16xi32>
      %add3A_395 = arith.addi %add3A_394, %iota3A : vector<16xi32>
      %mul3A_396 = arith.constant 2 : i32
      %mul3A_397 = vector.broadcast %mul3A_396 : i32 to vector<16xi32>
      %mul3A_398 = arith.muli %mul3A_397, %add3A_395 : vector<16xi32>
      %add3A_399 = arith.constant 1 : i32
      %add3A_400 = vector.broadcast %add3A_399 : i32 to vector<16xi32>
      %add3A_401 = arith.addi %mul3A_398, %add3A_400 : vector<16xi32>
      %get3A_402 = arith.index_cast %add3A_384 : i32 to index
      %get3A_403 = tpu.vector_load %arg7[%get3A_402] {strides = array<i32>} : memref<6400xi32, #tpu.memory_space<vmem>>, vector<16xi32>,
      tpu.vector_store_idx %arg11[%add3A_401], %get3A_403 : memref<128xi32, #tpu.memory_space<vmem>>[vector<16xi32>], vector<16xi32>,
      %add3A_404 = arith.constant 16 : i32
      %add3A_405 = arith.addi %mul3A_382, %add3A_404 : i32
      %add3A_406 = arith.constant 16 : i32
      %add3A_407 = vector.broadcast %add3A_406 : i32 to vector<16xi32>
      %add3A_408 = arith.addi %add3A_407, %iota3A : vector<16xi32>
      %mul3A_409 = arith.constant 2 : i32
      %mul3A_410 = vector.broadcast %mul3A_409 : i32 to vector<16xi32>
      %mul3A_411 = arith.muli %mul3A_410, %add3A_408 : vector<16xi32>
      %get3A_412 = arith.index_cast %add3A_405 : i32 to index
      %get3A_413 = tpu.vector_load %arg6[%get3A_412] {strides = array<i32>} : memref<6400xi32, #tpu.memory_space<vmem>>, vector<16xi32>,
      tpu.vector_store_idx %arg11[%mul3A_411], %get3A_413 : memref<128xi32, #tpu.memory_space<vmem>>[vector<16xi32>], vector<16xi32>,
      %add3A_414 = arith.constant 16 : i32
      %add3A_415 = vector.broadcast %add3A_414 : i32 to vector<16xi32>
      %add3A_416 = arith.addi %add3A_415, %iota3A : vector<16xi32>
      %mul3A_417 = arith.constant 2 : i32
      %mul3A_418 = vector.broadcast %mul3A_417 : i32 to vector<16xi32>
      %mul3A_419 = arith.muli %mul3A_418, %add3A_416 : vector<16xi32>
      %add3A_420 = arith.constant 1 : i32
      %add3A_421 = vector.broadcast %add3A_420 : i32 to vector<16xi32>
      %add3A_422 = arith.addi %mul3A_419, %add3A_421 : vector<16xi32>
      %get3A_423 = arith.index_cast %add3A_405 : i32 to index
      %get3A_424 = tpu.vector_load %arg7[%get3A_423] {strides = array<i32>} : memref<6400xi32, #tpu.memory_space<vmem>>, vector<16xi32>,
      tpu.vector_store_idx %arg11[%add3A_422], %get3A_424 : memref<128xi32, #tpu.memory_space<vmem>>[vector<16xi32>], vector<16xi32>,
      %add3A_425 = arith.constant 32 : i32
      %add3A_426 = arith.addi %mul3A_382, %add3A_425 : i32
      %add3A_427 = arith.constant 32 : i32
      %add3A_428 = vector.broadcast %add3A_427 : i32 to vector<16xi32>
      %add3A_429 = arith.addi %add3A_428, %iota3A : vector<16xi32>
      %mul3A_430 = arith.constant 2 : i32
      %mul3A_431 = vector.broadcast %mul3A_430 : i32 to vector<16xi32>
      %mul3A_432 = arith.muli %mul3A_431, %add3A_429 : vector<16xi32>
      %get3A_433 = arith.index_cast %add3A_426 : i32 to index
      %get3A_434 = tpu.vector_load %arg6[%get3A_433] {strides = array<i32>} : memref<6400xi32, #tpu.memory_space<vmem>>, vector<16xi32>,
      tpu.vector_store_idx %arg11[%mul3A_432], %get3A_434 : memref<128xi32, #tpu.memory_space<vmem>>[vector<16xi32>], vector<16xi32>,
      %add3A_435 = arith.constant 32 : i32
      %add3A_436 = vector.broadcast %add3A_435 : i32 to vector<16xi32>
      %add3A_437 = arith.addi %add3A_436, %iota3A : vector<16xi32>
      %mul3A_438 = arith.constant 2 : i32
      %mul3A_439 = vector.broadcast %mul3A_438 : i32 to vector<16xi32>
      %mul3A_440 = arith.muli %mul3A_439, %add3A_437 : vector<16xi32>
      %add3A_441 = arith.constant 1 : i32
      %add3A_442 = vector.broadcast %add3A_441 : i32 to vector<16xi32>
      %add3A_443 = arith.addi %mul3A_440, %add3A_442 : vector<16xi32>
      %get3A_444 = arith.index_cast %add3A_426 : i32 to index
      %get3A_445 = tpu.vector_load %arg7[%get3A_444] {strides = array<i32>} : memref<6400xi32, #tpu.memory_space<vmem>>, vector<16xi32>,
      tpu.vector_store_idx %arg11[%add3A_443], %get3A_445 : memref<128xi32, #tpu.memory_space<vmem>>[vector<16xi32>], vector<16xi32>,
      %add3A_446 = arith.constant 48 : i32
      %add3A_447 = arith.addi %mul3A_382, %add3A_446 : i32
      %add3A_448 = arith.constant 48 : i32
      %add3A_449 = vector.broadcast %add3A_448 : i32 to vector<16xi32>
      %add3A_450 = arith.addi %add3A_449, %iota3A : vector<16xi32>
      %mul3A_451 = arith.constant 2 : i32
      %mul3A_452 = vector.broadcast %mul3A_451 : i32 to vector<16xi32>
      %mul3A_453 = arith.muli %mul3A_452, %add3A_450 : vector<16xi32>
      %get3A_454 = arith.index_cast %add3A_447 : i32 to index
      %get3A_455 = tpu.vector_load %arg6[%get3A_454] {strides = array<i32>} : memref<6400xi32, #tpu.memory_space<vmem>>, vector<16xi32>,
      tpu.vector_store_idx %arg11[%mul3A_453], %get3A_455 : memref<128xi32, #tpu.memory_space<vmem>>[vector<16xi32>], vector<16xi32>,
      %add3A_456 = arith.constant 48 : i32
      %add3A_457 = vector.broadcast %add3A_456 : i32 to vector<16xi32>
      %add3A_458 = arith.addi %add3A_457, %iota3A : vector<16xi32>
      %mul3A_459 = arith.constant 2 : i32
      %mul3A_460 = vector.broadcast %mul3A_459 : i32 to vector<16xi32>
      %mul3A_461 = arith.muli %mul3A_460, %add3A_458 : vector<16xi32>
      %add3A_462 = arith.constant 1 : i32
      %add3A_463 = vector.broadcast %add3A_462 : i32 to vector<16xi32>
      %add3A_464 = arith.addi %mul3A_461, %add3A_463 : vector<16xi32>
      %get3A_465 = arith.index_cast %add3A_447 : i32 to index
      %get3A_466 = tpu.vector_load %arg7[%get3A_465] {strides = array<i32>} : memref<6400xi32, #tpu.memory_space<vmem>>, vector<16xi32>,
      tpu.vector_store_idx %arg11[%add3A_464], %get3A_466 : memref<128xi32, #tpu.memory_space<vmem>>[vector<16xi32>], vector<16xi32>,
      %dma_start3A_467 = arith.constant 0 : i32
      %dma_start3A_468 = arith.constant 0 : i32
      %dma_start3A_469 = tpu.memref_slice %arg4[%dma_start3A_467, %dma_start3A_468] : memref<4096x128xf32, #tpu.memory_space<hbm>> -> memref<4096x128xf32, #tpu.memory_space<hbm>>
      tpu.enqueue_indirect_dma source(%dma_start3A_469 : memref<4096x128xf32, #tpu.memory_space<hbm>>) target(%arg15 : memref<128x128xf32, #tpu.memory_space<vmem>>) offsets(%arg11 : memref<128xi32, #tpu.memory_space<vmem>>) semaphore(%arg19 : memref<!tpu.dma_semaphore, #tpu.memory_space<semaphore_mem>>)
      %sub3A_470 = arith.constant 1 : i32
      %sub3A_471 = arith.subi %add3A_375, %sub3A_470 : i32
      %dma_wait3A_472 = arith.constant 0 : i32
      %dma_wait3A_473 = arith.constant 0 : i32
      %dma_wait3A_474 = tpu.memref_slice %arg4[%dma_wait3A_472, %dma_wait3A_473] : memref<4096x128xf32, #tpu.memory_space<hbm>> -> memref<4096x128xf32, #tpu.memory_space<hbm>>
      tpu.wait_indirect_dma semaphore(%arg18 : memref<!tpu.dma_semaphore, #tpu.memory_space<semaphore_mem>>) src(%dma_wait3A_474 : memref<4096x128xf32, #tpu.memory_space<hbm>>) dst(%arg14 : memref<128x128xf32, #tpu.memory_space<vmem>>)
      %mul3A_475 = arith.constant 64 : i32
      %mul3A_476 = arith.muli %sub3A_471, %mul3A_475 : i32
      %add3A_477 = arith.addi %mul3A_2, %mul3A_476 : i32
      %mul3A_478 = arith.constant 2 : i32
      %mul3A_479 = arith.muli %mul3A_478, %add3A_477 : i32
      %dma_start3A_480 = arith.constant 0 : i32
      %dma_start3A_481 = tpu.memref_slice %arg5[%mul3A_479, %dma_start3A_480] : memref<409600x128xf32, #tpu.memory_space<hbm>> -> memref<128x128xf32, #tpu.memory_space<hbm>>
      %dma_start3A_482 = arith.constant 0 : i32
      %dma_start3A_483 = tpu.memref_slice %arg5[%mul3A_479, %dma_start3A_482] : memref<409600x128xf32, #tpu.memory_space<hbm>> -> memref<128x128xf32, #tpu.memory_space<hbm>>
      tpu.enqueue_dma source(%arg14 : memref<128x128xf32, #tpu.memory_space<vmem>>) target(%dma_start3A_483 : memref<128x128xf32, #tpu.memory_space<hbm>>) target_semaphore(%arg22 : memref<!tpu.dma_semaphore, #tpu.memory_space<semaphore_mem>>)
    }
    %scan3A_7 = arith.constant 25 : i32
    %dma_wait3A = arith.constant 0 : i32
    %dma_wait3A_8 = arith.constant 0 : i32
    %dma_wait3A_9 = tpu.memref_slice %arg4[%dma_wait3A, %dma_wait3A_8] : memref<4096x128xf32, #tpu.memory_space<hbm>> -> memref<4096x128xf32, #tpu.memory_space<hbm>>
    tpu.wait_indirect_dma semaphore(%arg19 : memref<!tpu.dma_semaphore, #tpu.memory_space<semaphore_mem>>) src(%dma_wait3A_9 : memref<4096x128xf32, #tpu.memory_space<hbm>>) dst(%arg15 : memref<128x128xf32, #tpu.memory_space<vmem>>)
    %add3A_10 = arith.constant 6336 : i32
    %add3A_11 = arith.addi %mul3A_2, %add3A_10 : i32
    %mul3A_12 = arith.constant 2 : i32
    %mul3A_13 = arith.muli %mul3A_12, %add3A_11 : i32
    %dma_start3A = arith.constant 0 : i32
    %dma_start3A_14 = tpu.memref_slice %arg5[%mul3A_13, %dma_start3A] : memref<409600x128xf32, #tpu.memory_space<hbm>> -> memref<128x128xf32, #tpu.memory_space<hbm>>
    %dma_start3A_15 = arith.constant 0 : i32
    %dma_start3A_16 = tpu.memref_slice %arg5[%mul3A_13, %dma_start3A_15] : memref<409600x128xf32, #tpu.memory_space<hbm>> -> memref<128x128xf32, #tpu.memory_space<hbm>>
    tpu.enqueue_dma source(%arg15 : memref<128x128xf32, #tpu.memory_space<vmem>>) target(%dma_start3A_16 : memref<128x128xf32, #tpu.memory_space<hbm>>) target_semaphore(%arg23 : memref<!tpu.dma_semaphore, #tpu.memory_space<semaphore_mem>>)
    %add3A_17 = arith.constant 6144 : i32
    %add3A_18 = arith.addi %mul3A_2, %add3A_17 : i32
    %mul3A_19 = arith.constant 2 : i32
    %mul3A_20 = arith.muli %mul3A_19, %add3A_18 : i32
    %dma_wait3A_21 = arith.constant 0 : i32
    %dma_wait3A_22 = tpu.memref_slice %arg5[%mul3A_20, %dma_wait3A_21] : memref<409600x128xf32, #tpu.memory_space<hbm>> -> memref<128x128xf32, #tpu.memory_space<hbm>>
    %dma_wait3A_23 = arith.constant 0 : i32
    %dma_wait3A_24 = tpu.memref_slice %arg5[%mul3A_20, %dma_wait3A_23] : memref<409600x128xf32, #tpu.memory_space<hbm>> -> memref<128x128xf32, #tpu.memory_space<hbm>>
    tpu.wait_dma2 semaphore(%arg20 : memref<!tpu.dma_semaphore, #tpu.memory_space<semaphore_mem>>) src(%arg12 : memref<128x128xf32, #tpu.memory_space<vmem>>) dst(%dma_wait3A_24 : memref<128x128xf32, #tpu.memory_space<hbm>>)
    %add3A_25 = arith.constant 6208 : i32
    %add3A_26 = arith.addi %mul3A_2, %add3A_25 : i32
    %mul3A_27 = arith.constant 2 : i32
    %mul3A_28 = arith.muli %mul3A_27, %add3A_26 : i32
    %dma_wait3A_29 = arith.constant 0 : i32
    %dma_wait3A_30 = tpu.memref_slice %arg5[%mul3A_28, %dma_wait3A_29] : memref<409600x128xf32, #tpu.memory_space<hbm>> -> memref<128x128xf32, #tpu.memory_space<hbm>>
    %dma_wait3A_31 = arith.constant 0 : i32
    %dma_wait3A_32 = tpu.memref_slice %arg5[%mul3A_28, %dma_wait3A_31] : memref<409600x128xf32, #tpu.memory_space<hbm>> -> memref<128x128xf32, #tpu.memory_space<hbm>>
    tpu.wait_dma2 semaphore(%arg21 : memref<!tpu.dma_semaphore, #tpu.memory_space<semaphore_mem>>) src(%arg13 : memref<128x128xf32, #tpu.memory_space<vmem>>) dst(%dma_wait3A_32 : memref<128x128xf32, #tpu.memory_space<hbm>>)
    %add3A_33 = arith.constant 6272 : i32
    %add3A_34 = arith.addi %mul3A_2, %add3A_33 : i32
    %mul3A_35 = arith.constant 2 : i32
    %mul3A_36 = arith.muli %mul3A_35, %add3A_34 : i32
    %dma_wait3A_37 = arith.constant 0 : i32
    %dma_wait3A_38 = tpu.memref_slice %arg5[%mul3A_36, %dma_wait3A_37] : memref<409600x128xf32, #tpu.memory_space<hbm>> -> memref<128x128xf32, #tpu.memory_space<hbm>>
    %dma_wait3A_39 = arith.constant 0 : i32
    %dma_wait3A_40 = tpu.memref_slice %arg5[%mul3A_36, %dma_wait3A_39] : memref<409600x128xf32, #tpu.memory_space<hbm>> -> memref<128x128xf32, #tpu.memory_space<hbm>>
    tpu.wait_dma2 semaphore(%arg22 : memref<!tpu.dma_semaphore, #tpu.memory_space<semaphore_mem>>) src(%arg14 : memref<128x128xf32, #tpu.memory_space<vmem>>) dst(%dma_wait3A_40 : memref<128x128xf32, #tpu.memory_space<hbm>>)
    %add3A_41 = arith.constant 6336 : i32
    %add3A_42 = arith.addi %mul3A_2, %add3A_41 : i32
    %mul3A_43 = arith.constant 2 : i32
    %mul3A_44 = arith.muli %mul3A_43, %add3A_42 : i32
    %dma_wait3A_45 = arith.constant 0 : i32
    %dma_wait3A_46 = tpu.memref_slice %arg5[%mul3A_44, %dma_wait3A_45] : memref<409600x128xf32, #tpu.memory_space<hbm>> -> memref<128x128xf32, #tpu.memory_space<hbm>>
    %dma_wait3A_47 = arith.constant 0 : i32
    %dma_wait3A_48 = tpu.memref_slice %arg5[%mul3A_44, %dma_wait3A_47] : memref<409600x128xf32, #tpu.memory_space<hbm>> -> memref<128x128xf32, #tpu.memory_space<hbm>>
    tpu.wait_dma2 semaphore(%arg23 : memref<!tpu.dma_semaphore, #tpu.memory_space<semaphore_mem>>) src(%arg15 : memref<128x128xf32, #tpu.memory_space<vmem>>) dst(%dma_wait3A_48 : memref<128x128xf32, #tpu.memory_space<hbm>>)
    return
  }
}

module attributes {stable_mosaic.version = 14 : i64} {
  func.func @_table_body(%arg0: memref<32x256xf32, #tpu.memory_space<vmem>>, %arg1: memref<64x128xf32, #tpu.memory_space<vmem>>, %arg2: memref<4096x128xf32, #tpu.memory_space<vmem>>) attributes {dimension_semantics = [], scalar_prefetch = 0 : i64, scratch_operands = 0 : i64, tpu.core_type = #tpu.core_type<tc>} {
    %get3A = arith.constant 0 : index
    %get3A_0 = arith.constant 0 : index
    %get3A_1 = vector.load %arg0[%get3A, %get3A_0] : memref<32x256xf32, #tpu.memory_space<vmem>>, vector<32x256xf32>
    %get3A_2 = arith.constant 0 : index
    %get3A_3 = arith.constant 0 : index
    %get3A_4 = vector.load %arg1[%get3A_2, %get3A_3] : memref<64x128xf32, #tpu.memory_space<vmem>>, vector<64x128xf32>
    %slice3A = vector.extract_strided_slice %get3A_1 {offsets = [0, 0], sizes = [32, 128], strides = [1, 1]} : vector<32x256xf32> to vector<32x128xf32>
    %broadcast_in_dim3A = vector.shape_cast %slice3A : vector<32x128xf32> to vector<32x1x128xf32>
    %broadcast_in_dim3A_5 = vector.shape_cast %get3A_4 : vector<64x128xf32> to vector<1x64x128xf32>
    %add3A = vector.broadcast %broadcast_in_dim3A : vector<32x1x128xf32> to vector<32x64x128xf32>
    %add3A_6 = vector.broadcast %broadcast_in_dim3A_5 : vector<1x64x128xf32> to vector<32x64x128xf32>
    %add3A_7 = arith.addf %add3A, %add3A_6 : vector<32x64x128xf32>
    %slice3A_8 = vector.extract_strided_slice %get3A_1 {offsets = [0, 128], sizes = [32, 128], strides = [1, 1]} : vector<32x256xf32> to vector<32x128xf32>
    %broadcast_in_dim3A_9 = vector.shape_cast %slice3A_8 : vector<32x128xf32> to vector<32x1x128xf32>
    %broadcast_in_dim3A_10 = vector.shape_cast %get3A_4 : vector<64x128xf32> to vector<1x64x128xf32>
    %add3A_11 = vector.broadcast %broadcast_in_dim3A_9 : vector<32x1x128xf32> to vector<32x64x128xf32>
    %add3A_12 = vector.broadcast %broadcast_in_dim3A_10 : vector<1x64x128xf32> to vector<32x64x128xf32>
    %add3A_13 = arith.addf %add3A_11, %add3A_12 : vector<32x64x128xf32>
    %reshape3A = vector.shape_cast %add3A_7 : vector<32x64x128xf32> to vector<2048x128xf32>
    %reshape3A_14 = vector.shape_cast %add3A_13 : vector<32x64x128xf32> to vector<2048x128xf32>
    %concatenate3A = tpu.concatenate %reshape3A, %reshape3A_14 in 0 : vector<2048x128xf32>, vector<2048x128xf32> -> vector<4096x128xf32>
    %swap3A = arith.constant 0 : index
    %swap3A_15 = arith.constant 0 : index
    %swap3A_16 = vector.load %arg2[%swap3A, %swap3A_15] : memref<4096x128xf32, #tpu.memory_space<vmem>>, vector<4096x128xf32>
    tpu.vector_store %arg2[%swap3A, %swap3A_15], %concatenate3A {strides = array<i32>} : memref<4096x128xf32, #tpu.memory_space<vmem>>, vector<4096x128xf32>,
    return
  }
}

module attributes {stable_mosaic.version = 14 : i64} {
  func.func @_decode_body(%arg0: i32, %arg1: memref<2048x32xf32, #tpu.memory_space<vmem>>, %arg2: memref<2048x2x64xf32, #tpu.memory_space<vmem>>, %arg3: memref<16x128xi32, #tpu.memory_space<vmem>>, %arg4: memref<16x128xi32, #tpu.memory_space<vmem>>) attributes {dimension_semantics = [#tpu.dimension_semantics<arbitrary>], iteration_bounds = array<i64: 100>, scalar_prefetch = 0 : i64, scratch_operands = 0 : i64, tpu.core_type = #tpu.core_type<tc>, window_params = [{transform_indices = @transform_0, window_bounds = array<i64: 2048, 32>}, {transform_indices = @transform_1, window_bounds = array<i64: 2048, 2, 64>}, {transform_indices = @transform_2, window_bounds = array<i64: 16, 128>}, {transform_indices = @transform_3, window_bounds = array<i64: 16, 128>}]} {
    %iota3A = tpu.iota {dimensions = array<i32: 1>} : vector<1x32xi32>
    %convert_element_type3A = arith.sitofp %iota3A : vector<1x32xi32> to vector<1x32xf32>
    %get3A = arith.constant 0 : index
    %get3A_0 = arith.constant 0 : index
    %get3A_1 = vector.load %arg1[%get3A, %get3A_0] : memref<2048x32xf32, #tpu.memory_space<vmem>>, vector<2048x32xf32>
    %mul3A = vector.broadcast %convert_element_type3A : vector<1x32xf32> to vector<2048x32xf32>
    %mul3A_2 = arith.mulf %get3A_1, %mul3A : vector<2048x32xf32>
    %reduce_sum3A = arith.constant dense<0.000000e+00> : vector<2048xf32>
    %reduce_sum3A_3 = vector.multi_reduction <add>, %mul3A_2, %reduce_sum3A [1] : vector<2048x32xf32> to vector<2048xf32>
    %iota3A_4 = tpu.iota {dimensions = array<i32: 2>} : vector<1x1x64xi32>
    %convert_element_type3A_5 = arith.sitofp %iota3A_4 : vector<1x1x64xi32> to vector<1x1x64xf32>
    %get3A_6 = arith.constant 0 : index
    %get3A_7 = arith.constant 0 : index
    %get3A_8 = arith.constant 0 : index
    %get3A_9 = vector.load %arg2[%get3A_6, %get3A_7, %get3A_8] : memref<2048x2x64xf32, #tpu.memory_space<vmem>>, vector<2048x2x64xf32>
    %mul3A_10 = vector.broadcast %convert_element_type3A_5 : vector<1x1x64xf32> to vector<2048x2x64xf32>
    %mul3A_11 = arith.mulf %get3A_9, %mul3A_10 : vector<2048x2x64xf32>
    %reduce_sum3A_12 = arith.constant dense<0.000000e+00> : vector<2048x2xf32>
    %reduce_sum3A_13 = vector.multi_reduction <add>, %mul3A_11, %reduce_sum3A_12 [2] : vector<2048x2x64xf32> to vector<2048x2xf32>
    %mul3A_14 = arith.constant 6.400000e+01 : f32
    %mul3A_15 = vector.broadcast %mul3A_14 : f32 to vector<2048xf32>
    %mul3A_16 = arith.mulf %mul3A_15, %reduce_sum3A_3 : vector<2048xf32>
    %slice3A = vector.extract_strided_slice %reduce_sum3A_13 {offsets = [0, 0], sizes = [2048, 1], strides = [1, 1]} : vector<2048x2xf32> to vector<2048x1xf32>
    %squeeze3A = vector.shape_cast %slice3A : vector<2048x1xf32> to vector<2048xf32>
    %add3A = arith.addf %mul3A_16, %squeeze3A : vector<2048xf32>
    %mul3A_17 = arith.constant 6.400000e+01 : f32
    %mul3A_18 = vector.broadcast %mul3A_17 : f32 to vector<2048xf32>
    %mul3A_19 = arith.mulf %mul3A_18, %reduce_sum3A_3 : vector<2048xf32>
    %add3A_20 = arith.constant 2.048000e+03 : f32
    %add3A_21 = vector.broadcast %add3A_20 : f32 to vector<2048xf32>
    %add3A_22 = arith.addf %add3A_21, %mul3A_19 : vector<2048xf32>
    %slice3A_23 = vector.extract_strided_slice %reduce_sum3A_13 {offsets = [0, 1], sizes = [2048, 1], strides = [1, 1]} : vector<2048x2xf32> to vector<2048x1xf32>
    %squeeze3A_24 = vector.shape_cast %slice3A_23 : vector<2048x1xf32> to vector<2048xf32>
    %add3A_25 = arith.addf %add3A_22, %squeeze3A_24 : vector<2048xf32>
    %convert_element_type3A_26 = arith.fptosi %add3A : vector<2048xf32> to vector<2048xi32>
    %reshape3A = vector.shape_cast %convert_element_type3A_26 : vector<2048xi32> to vector<16x128xi32>
    %swap3A = arith.constant 0 : index
    %swap3A_27 = arith.constant 0 : index
    %swap3A_28 = vector.load %arg3[%swap3A, %swap3A_27] : memref<16x128xi32, #tpu.memory_space<vmem>>, vector<16x128xi32>
    tpu.vector_store %arg3[%swap3A, %swap3A_27], %reshape3A {strides = array<i32>} : memref<16x128xi32, #tpu.memory_space<vmem>>, vector<16x128xi32>,
    %convert_element_type3A_29 = arith.fptosi %add3A_25 : vector<2048xf32> to vector<2048xi32>
    %reshape3A_30 = vector.shape_cast %convert_element_type3A_29 : vector<2048xi32> to vector<16x128xi32>
    %swap3A_31 = arith.constant 0 : index
    %swap3A_32 = arith.constant 0 : index
    %swap3A_33 = vector.load %arg4[%swap3A_31, %swap3A_32] : memref<16x128xi32, #tpu.memory_space<vmem>>, vector<16x128xi32>
    tpu.vector_store %arg4[%swap3A_31, %swap3A_32], %reshape3A_30 {strides = array<i32>} : memref<16x128xi32, #tpu.memory_space<vmem>>, vector<16x128xi32>,
    return
  }
  func.func @transform_0(%arg0: i32) -> (i32, i32) {
    %c0_i32 = arith.constant 0 : i32
    %c0_i32_0 = arith.constant 0 : i32
    return %arg0, %c0_i32 : i32, i32
  }
  func.func @transform_1(%arg0: i32) -> (i32, i32, i32) {
    %c0_i32 = arith.constant 0 : i32
    %c0_i32_0 = arith.constant 0 : i32
    %c0_i32_1 = arith.constant 0 : i32
    return %arg0, %c0_i32, %c0_i32_0 : i32, i32, i32
  }
  func.func @transform_2(%arg0: i32) -> (i32, i32) {
    %c0_i32 = arith.constant 0 : i32
    %c0_i32_0 = arith.constant 0 : i32
    return %arg0, %c0_i32 : i32, i32
  }
  func.func @transform_3(%arg0: i32) -> (i32, i32) {
    %c0_i32 = arith.constant 0 : i32
    %c0_i32_0 = arith.constant 0 : i32
    return %arg0, %c0_i32 : i32, i32
  }
}

</mosaic_0001>

<sc_bundles>
// kernel: kernel.5.cloned.1.call-start
scs
__scs_entry_jumppad:
0x0: {  	(pc) =	sbr.rel $0x88, $3  }
0x1: {  	(tag) =	ssettag $0x0;
	lr =	simm.s32 $0x1  }
0x2: {  	[smem:$0x3F9D] =	sst lr;
	_ =	strace $0xD0000000  }
0x3: {  	_ = 	snop  }
0x4: {  	_ = 	snop  }
0x5: {  	_ = 	snop  }
0x6: {  	_ = 	snop  }
0x7: {  	_ = 	snop  }
__scs_overlays_trampoline_lowered:
0x8: {  	[smem:$0x3FAC] =	sst s0  }
0x9: {  	[smem:$0x3FAD] =	sst s1  }
0xa: {  	[smem:$0x3FAE] =	sst s2  }
0xb: {  	[smem:$0x3FAF] =	sst s3  }
0xc: {  	[smem:$0x3FB0] =	sst s4  }
0xd: {  	[smem:$0x3FB1] =	sst s5  }
0xe: {  	[smem:$0x3FB2] =	sst s6  }
0xf: {  	[smem:$0x3FB3] =	sst s7  }
0x10: {  	[smem:$0x3FB4] =	sst s8  }
0x11: {  	[smem:$0x3FB5] =	sst s9;
	s0 =	simm.s32 @!p0 $0x0  }
0x12: {  	s1 =	sld [smem:$0x3F9B];
	s0 =	simm.s32 @p0 $0x1  }
0x13: {  	[smem:$0x3FB6] =	sst s0;
	s0 =	simm.s32 @!p1 $0x0  }
0x14: {  	s2 =	sld [smem:$0x3F9A];
	s0 =	simm.s32 @p1 $0x1  }
0x15: {  	[smem:$0x3FB7] =	sst s0;
	s0 =	simm.s32 @!p2 $0x0  }
0x16: {  	s3 =	sld [smem:$0x3FDB];
	s0 =	simm.s32 @p2 $0x1  }
0x17: {  	s4 =	simm.s32 $0x1BF5;
	[smem:$0x3FB9] =	sst s0  }
0x18: {  	s0 =	sld [smem:$0x3F9C];
	_ =	swait.ge [sflag:s4], $0x0  }
0x19: {  	s7 =	sld [smem:$0x3F9D]  }
0x1a: {  	s8 =	sadd.s32 $0xFFFFE003, lr  }
0x1b: {  	s9 =	sadd.s32 $0xFFFFFEF7, lr;
	s5 =	simm.s32 $0xFFFFFFFF;
	p2 =	slt.u32 s8, $0xFFFFF086  }
0x1c: {  	p1 =	slt.u32 s9, $0xF7A;
	s5 =	simm.s32 @!p2 $0x0  }
0x1d: {  	s5 =	simm.s32 @p1 $0x1;
	p0 =	seq.s32 s7, s2  }
0x1e: {  	s7 =	smul.u32 @!p0 $0xF7A, s2;
	p2 =	seq.s32 @!p0 s5, $0x0  }
0x1f: {  	s9 =	smul.u32 $0xF7A, s1;
	s8 =	simm.s32 @!p0 $0x1BF5;
	p2 =	por !p2, p0  }
0x20: {  	[sflag:s8] =	ssyncset.s32 @!p0 $0xFFFFF086;
	s6 =	sadd.s32 @!p0 s3, s7;
	s7 =	simm.s32 @!p0 $0x108  }
0x21: {  	s3 =	sadd.s32 s3, s9;
	s6 =	sadd.s32 @!p0 $0x88, s6;
	s7 =	simm.s32 @p2 $0x1082  }
0x22: {  	[simem:s7], [sflag:s8] =	dma.local @!p0 [hbm:s6], $0xF7A  }
0x23: {  	s9 =	sor.u32 $0xD0000000, s2;
	s6 =	simm.s32 $0x108;
	_ =	swait.ge @!p0 [sflag:s8], $0x0  }
0x24: {  	s3 =	sadd.s32 $0x88, s3;
	s6 =	simm.s32 @!p1 $0x1082;
	[sflag:s4] =	ssyncset.s32 $0xFFFFF086  }
0x25: {  	[simem:s6], [sflag:s4] =	dma.local [hbm:s3], $0xF7A  }
0x26: {  	[smem:$0x3F9D] =	sst s1;
	(tag) =	ssettag s2;
	_ =	strace s9  }
0x27: {  	s1 =	sld [smem:$0x3FAD]  }
0x28: {  	s2 =	sld [smem:$0x3FAE]  }
0x29: {  	s4 =	sld [smem:$0x3FB0]  }
0x2a: {  	p0 =	seq.s32 s5, $0x0;
	s5 =	sld [smem:$0x3FB1]  }
0x2b: {  	s6 =	sld [smem:$0x3FB2]  }
0x2c: {  	s7 =	sld [smem:$0x3FB3]  }
0x2d: {  	s3 =	simm.s32 $0x108;
	s8 =	sld [smem:$0x3FB4]  }
0x2e: {  	s3 =	simm.s32 @!p0 $0x1082;
	s9 =	sld [smem:$0x3FB5]  }
0x2f: {  	lr =	sadd.s32 s0, s3;
	s0 =	sld [smem:$0x3FAC]  }
0x30: {  	s3 =	sld [smem:$0x3FAF]  }
0x31: {  	[smem:$0x3FB8] =	sst s10  }
0x32: {  	s10 =	sld [smem:$0x3FB6];
	_ =	sdelay $0x3  }
0x33: {  	p0 =	seq.s32 s10, $0x1;
	s10 =	sld [smem:$0x3FB8];
	_ =	sdelay $0x3  }
0x34: {  	[smem:$0x3FB8] =	sst s10  }
0x35: {  	s10 =	sld [smem:$0x3FB7];
	_ =	sdelay $0x3  }
0x36: {  	p1 =	seq.s32 s10, $0x1;
	s10 =	sld [smem:$0x3FB8];
	_ =	sdelay $0x3  }
0x37: {  	[smem:$0x3FB8] =	sst s10  }
0x38: {  	s10 =	sld [smem:$0x3FB9]  }
0x39: {  	_ = 	snop;
	(pc) =	sbr.ind lr, $3  }
0x3a: {  	_ = 	snop  }
0x3b: {  	_ = 	snop  }
0x3c: {  	p2 =	seq.s32 s10, $0x1;
	s10 =	sld [smem:$0x3FB8]  }
0x3d: {  	_ =	shalt  }
0x3e: {  	_ =	shalt  }
0x3f: {  	_ =	shalt  }
0x40: {  	_ =	shalt  }
0x41: {  	_ =	shalt  }
0x42: {  	_ =	shalt  }
0x43: {  	_ =	shalt  }
0x44: {  	_ =	shalt  }
0x45: {  	_ =	shalt  }
0x46: {  	_ =	shalt  }
0x47: {  	_ =	shalt  }
0x48: {  	_ =	shalt  }
0x49: {  	_ =	shalt  }
0x4a: {  	_ =	shalt  }
0x4b: {  	_ =	shalt  }
0x4c: {  	_ =	shalt  }
0x4d: {  	_ =	shalt  }
0x4e: {  	_ =	shalt  }
0x4f: {  	_ =	shalt  }
0x50: {  	_ =	shalt  }
0x51: {  	_ =	shalt  }
0x52: {  	_ =	shalt  }
0x53: {  	_ =	shalt  }
0x54: {  	_ =	shalt  }
0x55: {  	_ =	shalt  }
0x56: {  	_ =	shalt  }
0x57: {  	_ =	shalt  }
0x58: {  	_ =	shalt  }
0x59: {  	_ =	shalt  }
0x5a: {  	_ =	shalt  }
0x5b: {  	_ =	shalt  }
0x5c: {  	_ =	shalt  }
0x5d: {  	_ =	shalt  }
0x5e: {  	_ =	shalt  }
0x5f: {  	_ =	shalt  }
0x60: {  	_ =	shalt  }
0x61: {  	_ =	shalt  }
0x62: {  	_ =	shalt  }
0x63: {  	_ =	shalt  }
0x64: {  	_ =	shalt  }
0x65: {  	_ =	shalt  }
0x66: {  	_ =	shalt  }
0x67: {  	_ =	shalt  }
0x68: {  	_ =	shalt  }
0x69: {  	_ =	shalt  }
0x6a: {  	_ =	shalt  }
0x6b: {  	_ =	shalt  }
0x6c: {  	_ =	shalt  }
0x6d: {  	_ =	shalt  }
0x6e: {  	_ =	shalt  }
0x6f: {  	_ =	shalt  }
0x70: {  	_ =	shalt  }
0x71: {  	_ =	shalt  }
0x72: {  	_ =	shalt  }
0x73: {  	_ =	shalt  }
0x74: {  	_ =	shalt  }
0x75: {  	_ =	shalt  }
0x76: {  	_ =	shalt  }
0x77: {  	_ =	shalt  }
0x78: {  	_ =	shalt  }
0x79: {  	_ =	shalt  }
0x7a: {  	_ =	shalt  }
0x7b: {  	_ =	shalt  }
0x7c: {  	_ =	shalt  }
0x7d: {  	_ =	shalt  }
0x7e: {  	_ =	shalt  }
0x7f: {  	_ =	shalt  }
0x80: {  	_ =	shalt  }
0x81: {  	_ =	shalt  }
0x82: {  	_ =	shalt  }
0x83: {  	_ =	shalt  }
0x84: {  	_ =	shalt  }
0x85: {  	_ =	shalt  }
0x86: {  	_ =	shalt  }
0x87: {  	_ =	shalt  }
.Lfunc_end0:
.L_simem_size_0:
called_computation.1_lowered:
.L_overlay_start_0:
0x88: {  	s2 =	sld [smem:$0x3FD9]  }
0x89: {  	s3 =	sld [smem:$0x3FFE];
	_ =	sdelay $0x1  }
0x8a: {  	s1 =	srdreg.scid  }
0x8b: {  	s0 =	sand.u32 $0x1, s1  }
0x8c: {  	s17 =	sshll.u32 s0, $0xA;
	s2 =	sadd.s32 s3, s2  }
0x8d: {  	s2 =	sadd.s32 s2, s17  }
0x8e: {  	[smem:$0x3FC4] =	sst s2  }
0x8f: {  	_ = 	snop  }
0x90: {  	s2 =	sld [smem:$0x3FD0];
	(tm) =	ssettm $0x1  }
0x91: {  	s18 =	sld [smem:$0x3FFB];
	_ =	sdelay $0x3  }
0x92: {  	_ =	strace s18  }
0x93: {  	s3 =	sld [smem:$0x3FFC];
	_ =	sdelay $0x3  }
0x94: {  	_ =	strace s3  }
0x95: {  	s3 =	sld [smem:$0x3FFD];
	_ =	sdelay $0x3  }
0x96: {  	_ =	strace s3  }
0x97: {  	_ =	strace $0x8FFFFFFF  }
0x98: {  	s19 =	sld [smem:$0x3FDB];
	_ =	sdelay $0x1  }
0x99: {  	s4 =	simm.s32 $_scs_section_size  }
0x9a: {  	s5 =	simm.s32 $_size__tile_overlayer_lowered;
	s6 =	simm.s32 $_tile_overlayer_lowered  }
0x9b: {  	s22 =	simm.s32 $0x1BFF;
	s21 =	sshll.u32 s6, $0x1;
	s3 =	sadd.s32 s4, s19  }
0x9c: {  	s7 =	simm.s32 $0x0;
	s20 =	sshll.u32 s5, $0x1;
	s5 =	sadd.s32 s21, s3  }
0x9d: {  	[timem:s7], [sflag:s22] =	dma.local [hbm:s5], s20  }
0x9e: {  	_ =	swait.ge [sflag:s22], s20  }
0x9f: {  	s4 =	ssub.s32 $0x0, s20;
	[sflag:s22] =	ssyncset.done $0x0  }
0xa0: {  	[sflag:s22] =	ssyncadd.s32 s4;
	_ =	sdelay $0x1  }
0xa1: {  	s23 =	simm.s32 $0x1B8B  }
0xa2: {  	_ =	swait.ge [sflag:s23], $0x1  }
0xa3: {  	[sflag:s23] =	ssyncset.done $0x0  }
0xa4: {  	s25 =	simm.s32 $0x1B8E;
	s24 =	sld [smem:$0x3FFE];
	[sflag:s23] =	ssyncadd.s32 $0xFFFFFFFF  }
0xa5: {  	s26 =	simm.s32 $execute0_lowered;
	[smem:$0x3FD2] =	sst s25  }
0xa6: {  	s5 =	sshll.u32 s26, $0x1;
	_ =	strace $0x80000046;
	[dreg:$0x1] =	wrdreg $0xFFFFFFFF  }
0xa7: {  	s28 =	simm.s32 $_size_execute0_lowered;
	s3 =	sadd.s32 s3, s5;
	[dreg:$0x0] =	wrdreg $0x0  }
0xa8: {  	s5 =	sshll.u32 s28, $0x1;
	[dreg:$0x2] =	wrdreg s3  }
0xa9: {  	[dreg:$0x3] =	wrdreg s5  }
0xaa: {  	[dreg:$0x4] =	wrdreg $0xC0  }
0xab: {  	_ =	task [dreg:s7], $0x5FFFF  }
0xac: {  	[dreg:$0x1] =	wrdreg $0xFFFFFFFF  }
0xad: {  	[dreg:$0x0] =	wrdreg $0x60  }
0xae: {  	[dreg:$0x2] =	wrdreg s24  }
0xaf: {  	[dreg:$0x3] =	wrdreg s2  }
0xb0: {  	[dreg:$0x4] =	wrdreg $0x9  }
0xb1: {  	_ =	task.clear_ibuf [dreg:s7], $0x5FFFF;
	_ =	strace $0x90000046  }
0xb2: {  	s29 =	simm.s32 $0x9;
	_ =	strace $0x80000048  }
0xb3: {  	_ =	swait.ge [sflag:s29], $0x1  }
0xb4: {  	[sflag:s29] =	ssyncadd.s32 $0xFFFFFFFF  }
0xb5: {  	_ =	strace $0x90000048  }
0xb6: {  	_ =	sfence  }
0xb7: {  	s30 =	sld [smem:$0x0];
	_ =	sdelay $0x2  }
0xb8: {  	s31 =	sshll.u32 s1, $0xD;
	s1 =	sshrl.u32 s1, $0x2  }
0xb9: {  	s3 =	sand.u32 $0x4000, s31;
	s1 =	sadd.s32 s1, s30  }
0xba: {  	s0 =	sor.u32 s3, s0;
	s1 =	sshll.u32 s1, $0x11  }
0xbb: {  	s0 =	sor.u32 s1, s0  }
0xbc: {  	s0 =	sadd.s32 $0x8F2B, s0  }
0xbd: {  	[sflag:s0] =	ssyncadd.remote.s32 $0x1  }
0xbe: {  	_ =	sfence.sel $0xFFFF  }
0xbf: {  	[dreg:$0x0] =	wrdreg $0xFFFFFFFF;
	(pc) =	sbr.abs _section_cstart, $3  }
0xc0: {  	[dreg:$0x1] =	wrdreg $0xFFFFFFFF  }
0xc1: {  	_ =	task.clear_ibuf [dreg:s7], $0x2FFFF;
	_ =	strace $0x9FFFFFFF  }
0xc2: {  	(tm) =	ssettm $0x7FFFFFFF  }
0xc3: {  	_ =	shalt  }
tec
execute0_lowered:
.L_overlay_start_1:
0x0: {  	(tag) =	ssettag $0x1  }
0x1: {  	s0 =	srdreg.scid;
	s1 =	rddreg [dreg:$0x0]  }
0x2: {  	s10 =	stileid.u32;
	s2 =	rddreg [dreg:$0x1];
	s12 =	simm.s32 $0x3200  }
0x3: {  	s13 =	simm.s32 $0x80;
	s14 =	simm.s32 $0x3400;
	s15 =	simm.s32 $0x3280  }
0x4: {  	s16 =	simm.s32 $0x7400;
	s17 =	simm.s32 $0x1;
	s18 =	simm.s32 $0x3300  }
0x5: {  	s19 =	simm.s32 $0xB400;
	s20 =	simm.s32 $0x2;
	s21 =	simm.s32 $0x3380  }
0x6: {  	s28 =	simm.s32 $0x7;
	s29 =	simm.s32 $0x8;
	s6 =	smul.u32 $0x3200, s10  }
0x7: {  	s0 =	sand.u32 $0x1, s0;
	s3 =	sshll.u32 s10, $0x1;
	s23 =	smul.u32 $0x64000, s10  }
0x8: {  	s30 =	simm.s32 $0x0;
	s5 =	sor.u32 s0, s3;
	s9 =	smul.u32 $0x1900, s0  }
0x9: {  	s3 =	simm.s32 $0x0;
	s8 =	ssub.s32 $0x2, s0;
	s4 =	smul.u32 $0x1900, s5  }
0xa: {  	s0 =	smul.u32 $0x32000, s0;
	[smem:$0x7FF] =	sst s3;
	s22 =	sshrl.u32 s8, $0x1  }
0xb: {  	s5 =	smul.u32 $0x190000, s5;
	s6 =	sadd.s32 s9, s6;
	s4 =	sshrl.u32 s4, $0x3  }
0xc: {  	_ =	strace $0x80000047;
	s6 =	sshll.u32 s6, $0x5;
	s7 =	sadd.s32 s4, s1  }
0xd: {  	s5 =	sshrl.u32 s5, $0x3;
	s4 =	sadd.s32 $0x321400, s1;
	s24 =	sadd.s32 $0x1400, s7  }
0xe: {  	s5 =	sadd.s32 s2, s5;
	s7 =	sadd.s32 $0x7800, s7;
	[dreg:$0x6] =	wrdreg s24  }
0xf: {  	v0 =	vlaneseq.u32;
	s6 =	sadd.s32 s6, s2;
	s5 =	sadd.s32 $0x31800, s5;
	[dreg:$0x7] =	wrdreg s7  }
0x10: {  	v0 =	vmul.u32 $0x2, v0;
	s1 =	ssub.s32 s8, s22;
	s25 =	sadd.s32 $0x1000, s6;
	[dreg:$0x8] =	wrdreg s5  }
0x11: {  	s10 =	simm.s32 $0x9;
	s1 =	smax.u32 s1, $0x1;
	[dreg:$0x3] =	wrdreg s25  }
0x12: {  	v1 =	vor.u32 $0x1, v0;
	s31 =	sadd.s32 $0x800, s6;
	s7 =	sadd.s32 s0, s23;
	[dreg:$0x9] =	wrdreg s1  }
0x13: {  	v2 =	vor.u32 $0x20, v0;
	v3 =	vor.u32 $0x21, v0;
	v4 =	vor.u32 $0x40, v0;
	s22 =	simm.s32 $0xF400;
	[dreg:$0x5] =	wrdreg s31;
	s26 =	sadd.s32 s2, s7  }
0x14: {  	v5 =	vor.u32 $0x41, v0;
	v6 =	vor.u32 $0x60, v0;
	v7 =	vor.u32 $0x61, v0;
	s23 =	simm.s32 $0x3;
	[dreg:$0x4] =	wrdreg s26;
	s26 =	simm.s32 $0x6  }
.LBB2_1:
0x15: {  	s0 =	rddreg [dreg:$0x6]  }
0x16: {  	[tilespmem:s3], [sflag:$0x9] =	stream.linear.gather [hbm4b:s0+s3], $0x1900, $0x38;
	[tilespmem:$0x13400] =	vst v63  }
0x17: {  	_ =	swait.ge [sflag:s10], $0x1900  }
0x18: {  	[sflag:s10] =	ssyncset.done $0x0  }
0x19: {  	s1 =	simm.s32 $0x1900;
	s8 =	rddreg [dreg:$0x7];
	[sflag:s10] =	ssyncadd.s32 $0xFFFFE700  }
0x1a: {  	[tilespmem:s1], [sflag:$0x9] =	stream.linear.gather [hbm4b:s8+s3], $0x1900, $0x38;
	[tilespmem:$0x13400] =	vst v63  }
0x1b: {  	p1 =	por $0x1, $0x1;
	_ =	swait.ge [sflag:s10], $0x1900  }
0x1c: {  	p0 =	por p1, p1;
	[sflag:s10] =	ssyncset.done $0x0  }
0x1d: {  	s0 =	simm.s32 @!p0 $0x5;
	[sflag:s10] =	ssyncadd.s32 $0xFFFFE700  }
0x1e: {  	_ =	swait.ge @!p0 [sflag:s0], $0x4000  }
0x1f: {  	[sflag:s0] =	ssyncset.done @!p0 $0x0  }
0x20: {  	[sflag:s0] =	ssyncadd.s32 @!p0 $0xFFFFC000  }
0x21: {  	v8 =	vld [tilespmem:s13+$0xFFFFFF80];
	_ =	sdelay $0x4  }
0x22: {  	s9 =	simm.s32 $0x1980;
	[tilespmem:v0+s12+$0x0] =	vst.idx.msk $0xffff, v8  }
0x23: {  	v8 =	vld [tilespmem:s9+$0xFFFFFF80];
	_ =	sdelay $0x4  }
0x24: {  	[tilespmem:v1+s12+$0x0] =	vst.idx.msk $0xffff, v8  }
0x25: {  	v8 =	vld [tilespmem:s13+$0xFFFFFF90];
	_ =	sdelay $0x4  }
0x26: {  	[tilespmem:v2+s12+$0x0] =	vst.idx.msk $0xffff, v8  }
0x27: {  	v8 =	vld [tilespmem:s9+$0xFFFFFF90];
	_ =	sdelay $0x4  }
0x28: {  	[tilespmem:v3+s12+$0x0] =	vst.idx.msk $0xffff, v8  }
0x29: {  	v8 =	vld [tilespmem:s13+$0xFFFFFFA0];
	_ =	sdelay $0x4  }
0x2a: {  	[tilespmem:v4+s12+$0x0] =	vst.idx.msk $0xffff, v8  }
0x2b: {  	v8 =	vld [tilespmem:s9+$0xFFFFFFA0];
	_ =	sdelay $0x4  }
0x2c: {  	[tilespmem:v5+s12+$0x0] =	vst.idx.msk $0xffff, v8  }
0x2d: {  	v8 =	vld [tilespmem:s13+$0xFFFFFFB0];
	_ =	sdelay $0x4  }
0x2e: {  	[tilespmem:v6+s12+$0x0] =	vst.idx.msk $0xffff, v8  }
0x2f: {  	v8 =	vld [tilespmem:s9+$0xFFFFFFB0];
	_ =	sdelay $0x4  }
0x30: {  	s5 =	simm.s32 @!p0 $0x4;
	s1 =	sadd.s32 @!p1 $0x0, s7;
	[tilespmem:v7+s12+$0x0] =	vst.idx.msk $0xffff, v8  }
0x31: {  	[tilespmem:s14], [sflag:$0x1] =	stream.indirect.gather [hbm4b:s4+s13], $0x80, s12, s13, $0xb8;
	[tilespmem:$0x13400] =	vst v63  }
0x32: {  	s6 =	simm.s32 @!p0 $0x6;
	s1 =	sadd.s32 @!p1 $0x1FFFF800, s1;
	_ =	swait.ge @!p0 [sflag:s5], $0x4000  }
0x33: {  	s8 =	simm.s32 @!p0 $0xF400;
	s1 =	sand.u32 @!p1 $0x1FFFF800, s1;
	[sflag:s5] =	ssyncset.done @!p0 $0x0  }
0x34: {  	s1 =	sadd.s32 @!p1 s2, s1;
	[sflag:s5] =	ssyncadd.s32 @!p0 $0xFFFFC000;
	s5 =	simm.s32 @!p0 $0x0  }
0x35: {  	[hbm4b:s1+s5] =	stream.linear.scatter @!p0 [tilespmem:s8], [sflag:$0x8], $0x4000, $0x38;
	[tilespmem:$0x13400] =	vst v63  }
0x36: {  	_ =	swait.ge @!p0 [sflag:s6], $0x4000  }
0x37: {  	[sflag:s6] =	ssyncset.done @!p0 $0x0  }
0x38: {  	[sflag:s6] =	ssyncadd.s32 @!p0 $0xFFFFC000  }
0x39: {  	v8 =	vld [tilespmem:s13+$0xFFFFFFC0];
	_ =	sdelay $0x4  }
0x3a: {  	[tilespmem:v0+s15+$0x0] =	vst.idx.msk $0xffff, v8  }
0x3b: {  	v8 =	vld [tilespmem:s9+$0xFFFFFFC0];
	_ =	sdelay $0x4  }
0x3c: {  	[tilespmem:v1+s15+$0x0] =	vst.idx.msk $0xffff, v8  }
0x3d: {  	v8 =	vld [tilespmem:s13+$0xFFFFFFD0];
	_ =	sdelay $0x4  }
0x3e: {  	[tilespmem:v2+s15+$0x0] =	vst.idx.msk $0xffff, v8  }
0x3f: {  	v8 =	vld [tilespmem:s9+$0xFFFFFFD0];
	_ =	sdelay $0x4  }
0x40: {  	[tilespmem:v3+s15+$0x0] =	vst.idx.msk $0xffff, v8  }
0x41: {  	v8 =	vld [tilespmem:s13+$0xFFFFFFE0];
	_ =	sdelay $0x4  }
0x42: {  	[tilespmem:v4+s15+$0x0] =	vst.idx.msk $0xffff, v8  }
0x43: {  	v8 =	vld [tilespmem:s9+$0xFFFFFFE0];
	_ =	sdelay $0x4  }
0x44: {  	[tilespmem:v5+s15+$0x0] =	vst.idx.msk $0xffff, v8  }
0x45: {  	v8 =	vld [tilespmem:s13+$0xFFFFFFF0];
	_ =	sdelay $0x4  }
0x46: {  	[tilespmem:v6+s15+$0x0] =	vst.idx.msk $0xffff, v8  }
0x47: {  	v8 =	vld [tilespmem:s9+$0xFFFFFFF0];
	_ =	sdelay $0x4  }
0x48: {  	[tilespmem:v7+s15+$0x0] =	vst.idx.msk $0xffff, v8  }
0x49: {  	[tilespmem:s16], [sflag:$0x2] =	stream.indirect.gather [hbm4b:s4+s13], $0x80, s15, s13, $0xb8;
	[tilespmem:$0x13400] =	vst v63  }
0x4a: {  	_ =	swait.ge [sflag:s17], $0x4000  }
0x4b: {  	s11 =	rddreg [dreg:$0x4];
	[sflag:s17] =	ssyncset.done $0x0  }
0x4c: {  	s5 =	simm.s32 @!p0 $0x7;
	[sflag:s17] =	ssyncadd.s32 $0xFFFFC000;
	s1 =	sadd.s32 $0x0, s11  }
0x4d: {  	[hbm4b:s1+s3] =	stream.linear.scatter [tilespmem:s14], [sflag:$0x5], $0x4000, $0x38;
	[tilespmem:$0x13400] =	vst v63  }
0x4e: {  	_ =	swait.ge @!p0 [sflag:s5], $0x4000  }
0x4f: {  	[sflag:s5] =	ssyncset.done @!p0 $0x0  }
0x50: {  	[sflag:s5] =	ssyncadd.s32 @!p0 $0xFFFFC000  }
0x51: {  	v8 =	vld [tilespmem:s13+$0x0];
	_ =	sdelay $0x4  }
0x52: {  	[tilespmem:v0+s18+$0x0] =	vst.idx.msk $0xffff, v8  }
0x53: {  	v8 =	vld [tilespmem:s9+$0x0];
	_ =	sdelay $0x4  }
0x54: {  	[tilespmem:v1+s18+$0x0] =	vst.idx.msk $0xffff, v8  }
0x55: {  	v8 =	vld [tilespmem:s13+$0x10];
	_ =	sdelay $0x4  }
0x56: {  	[tilespmem:v2+s18+$0x0] =	vst.idx.msk $0xffff, v8  }
0x57: {  	v8 =	vld [tilespmem:s9+$0x10];
	_ =	sdelay $0x4  }
0x58: {  	[tilespmem:v3+s18+$0x0] =	vst.idx.msk $0xffff, v8  }
0x59: {  	v8 =	vld [tilespmem:s13+$0x20];
	_ =	sdelay $0x4  }
0x5a: {  	[tilespmem:v4+s18+$0x0] =	vst.idx.msk $0xffff, v8  }
0x5b: {  	v8 =	vld [tilespmem:s9+$0x20];
	_ =	sdelay $0x4  }
0x5c: {  	[tilespmem:v5+s18+$0x0] =	vst.idx.msk $0xffff, v8  }
0x5d: {  	v8 =	vld [tilespmem:s13+$0x30];
	_ =	sdelay $0x4  }
0x5e: {  	[tilespmem:v6+s18+$0x0] =	vst.idx.msk $0xffff, v8  }
0x5f: {  	v8 =	vld [tilespmem:s9+$0x30];
	_ =	sdelay $0x4  }
0x60: {  	[tilespmem:v7+s18+$0x0] =	vst.idx.msk $0xffff, v8  }
0x61: {  	[tilespmem:s19], [sflag:$0x3] =	stream.indirect.gather [hbm4b:s4+s13], $0x80, s18, s13, $0xb8;
	[tilespmem:$0x13400] =	vst v63  }
0x62: {  	_ =	swait.ge [sflag:s20], $0x4000  }
0x63: {  	s24 =	rddreg [dreg:$0x5];
	[sflag:s20] =	ssyncset.done $0x0  }
0x64: {  	s5 =	simm.s32 @!p0 $0x8;
	[sflag:s20] =	ssyncadd.s32 $0xFFFFC000;
	s1 =	sadd.s32 $0x0, s24  }
0x65: {  	[hbm4b:s1+s3] =	stream.linear.scatter [tilespmem:s16], [sflag:$0x6], $0x4000, $0x38;
	[tilespmem:$0x13400] =	vst v63  }
0x66: {  	_ =	swait.ge @!p0 [sflag:s5], $0x4000  }
0x67: {  	[sflag:s5] =	ssyncset.done @!p0 $0x0  }
0x68: {  	[sflag:s5] =	ssyncadd.s32 @!p0 $0xFFFFC000  }
0x69: {  	v8 =	vld [tilespmem:s13+$0x40];
	_ =	sdelay $0x4  }
0x6a: {  	[tilespmem:v0+s21+$0x0] =	vst.idx.msk $0xffff, v8  }
0x6b: {  	v8 =	vld [tilespmem:s9+$0x40];
	_ =	sdelay $0x4  }
0x6c: {  	[tilespmem:v1+s21+$0x0] =	vst.idx.msk $0xffff, v8  }
0x6d: {  	v8 =	vld [tilespmem:s13+$0x50];
	_ =	sdelay $0x4  }
0x6e: {  	[tilespmem:v2+s21+$0x0] =	vst.idx.msk $0xffff, v8  }
0x6f: {  	v8 =	vld [tilespmem:s9+$0x50];
	_ =	sdelay $0x4  }
0x70: {  	[tilespmem:v3+s21+$0x0] =	vst.idx.msk $0xffff, v8  }
0x71: {  	v8 =	vld [tilespmem:s13+$0x60];
	_ =	sdelay $0x4  }
0x72: {  	[tilespmem:v4+s21+$0x0] =	vst.idx.msk $0xffff, v8  }
0x73: {  	v8 =	vld [tilespmem:s9+$0x60];
	_ =	sdelay $0x4  }
0x74: {  	[tilespmem:v5+s21+$0x0] =	vst.idx.msk $0xffff, v8  }
0x75: {  	v8 =	vld [tilespmem:s13+$0x70];
	_ =	sdelay $0x4  }
0x76: {  	[tilespmem:v6+s21+$0x0] =	vst.idx.msk $0xffff, v8  }
0x77: {  	v8 =	vld [tilespmem:s9+$0x70];
	_ =	sdelay $0x1  }
0x78: {  	p0 =	por $0x0, $0x0  }
0x79: {  	s0 =	sadd.s32 @!p0 $0x2000, s7  }
0x7a: {  	s0 =	sadd.s32 @!p0 $0x1FFFF800, s0  }
0x7b: {  	s31 =	simm.s32 $0x2000;
	s1 =	simm.s32 $0x1A80;
	s0 =	sand.u32 @!p0 $0x1FFFF800, s0;
	[tilespmem:v7+s21+$0x0] =	vst.idx.msk $0xffff, v8  }
0x7c: {  	[tilespmem:s22], [sflag:$0x4] =	stream.indirect.gather [hbm4b:s4+s13], $0x80, s21, s13, $0xb8;
	[tilespmem:$0x13400] =	vst v63  }
0x7d: {  	s5 =	simm.s32 $0x4000;
	s11 =	sadd.s32 @!p0 s2, s0;
	_ =	swait.ge [sflag:s23], $0x4000  }
0x7e: {  	p0 =	por p0, p0;
	s25 =	rddreg [dreg:$0x3];
	[sflag:s23] =	ssyncset.done $0x0  }
0x7f: {  	s0 =	simm.s32 $0x180;
	[sflag:s23] =	ssyncadd.s32 $0xFFFFC000;
	s6 =	sadd.s32 $0x0, s25  }
.LBB2_2:
0x80: {  	[hbm4b:s6+s3] =	stream.linear.scatter [tilespmem:s19], [sflag:$0x7], $0x4000, $0x38;
	[tilespmem:$0x13400] =	vst v63  }
0x81: {  	s8 =	simm.s32 @!p0 $0x5  }
0x82: {  	_ =	swait.ge @!p0 [sflag:s8], $0x4000  }
0x83: {  	[sflag:s8] =	ssyncset.done @!p0 $0x0  }
0x84: {  	[sflag:s8] =	ssyncadd.s32 @!p0 $0xFFFFC000  }
0x85: {  	v8 =	vld [tilespmem:s0+$0xFFFFFF80];
	_ =	sdelay $0x4  }
0x86: {  	[tilespmem:v0+s12+$0x0] =	vst.idx.msk $0xffff, v8  }
0x87: {  	v8 =	vld [tilespmem:s1+$0xFFFFFF80];
	_ =	sdelay $0x4  }
0x88: {  	[tilespmem:v1+s12+$0x0] =	vst.idx.msk $0xffff, v8  }
0x89: {  	v8 =	vld [tilespmem:s0+$0xFFFFFF90];
	_ =	sdelay $0x4  }
0x8a: {  	[tilespmem:v2+s12+$0x0] =	vst.idx.msk $0xffff, v8  }
0x8b: {  	v8 =	vld [tilespmem:s1+$0xFFFFFF90];
	_ =	sdelay $0x4  }
0x8c: {  	[tilespmem:v3+s12+$0x0] =	vst.idx.msk $0xffff, v8  }
0x8d: {  	v8 =	vld [tilespmem:s0+$0xFFFFFFA0];
	_ =	sdelay $0x4  }
0x8e: {  	[tilespmem:v4+s12+$0x0] =	vst.idx.msk $0xffff, v8  }
0x8f: {  	v8 =	vld [tilespmem:s1+$0xFFFFFFA0];
	_ =	sdelay $0x4  }
0x90: {  	[tilespmem:v5+s12+$0x0] =	vst.idx.msk $0xffff, v8  }
0x91: {  	v8 =	vld [tilespmem:s0+$0xFFFFFFB0];
	_ =	sdelay $0x4  }
0x92: {  	[tilespmem:v6+s12+$0x0] =	vst.idx.msk $0xffff, v8  }
0x93: {  	s6 =	smov.u32 s31;
	s31 =	smov.u32 s5;
	v8 =	vld [tilespmem:s1+$0xFFFFFFB0]  }
0x94: {  	p2 =	seq.s32 s31, $0x0  }
0x95: {  	s9 =	sadd.s32 @!p2 s31, s7  }
0x96: {  	s9 =	sadd.s32 @!p2 $0x1FFFF800, s9  }
0x97: {  	s9 =	sand.u32 @!p2 $0x1FFFF800, s9  }
0x98: {  	s8 =	sadd.s32 @!p2 s2, s9;
	s9 =	simm.s32 @!p0 $0x4;
	[tilespmem:v7+s12+$0x0] =	vst.idx.msk $0xffff, v8  }
0x99: {  	[tilespmem:s14], [sflag:$0x1] =	stream.indirect.gather [hbm4b:s4+s13], $0x80, s12, s13, $0xb8;
	[tilespmem:$0x13400] =	vst v63  }
0x9a: {  	_ =	swait.ge @!p0 [sflag:s9], $0x4000  }
0x9b: {  	s24 =	simm.s32 @!p0 $0x6;
	[sflag:s9] =	ssyncset.done @!p0 $0x0  }
0x9c: {  	s25 =	simm.s32 @!p0 $0xF400;
	[sflag:s9] =	ssyncadd.s32 @!p0 $0xFFFFC000;
	s9 =	simm.s32 @!p0 $0x0  }
0x9d: {  	[hbm4b:s11+s9] =	stream.linear.scatter @!p0 [tilespmem:s25], [sflag:$0x8], $0x4000, $0x38;
	[tilespmem:$0x13400] =	vst v63  }
0x9e: {  	_ =	swait.ge @!p0 [sflag:s24], $0x4000  }
0x9f: {  	[sflag:s24] =	ssyncset.done @!p0 $0x0  }
0xa0: {  	[sflag:s24] =	ssyncadd.s32 @!p0 $0xFFFFC000  }
0xa1: {  	v8 =	vld [tilespmem:s0+$0xFFFFFFC0];
	_ =	sdelay $0x4  }
0xa2: {  	[tilespmem:v0+s15+$0x0] =	vst.idx.msk $0xffff, v8  }
0xa3: {  	v8 =	vld [tilespmem:s1+$0xFFFFFFC0];
	_ =	sdelay $0x4  }
0xa4: {  	[tilespmem:v1+s15+$0x0] =	vst.idx.msk $0xffff, v8  }
0xa5: {  	v8 =	vld [tilespmem:s0+$0xFFFFFFD0];
	_ =	sdelay $0x4  }
0xa6: {  	[tilespmem:v2+s15+$0x0] =	vst.idx.msk $0xffff, v8  }
0xa7: {  	v8 =	vld [tilespmem:s1+$0xFFFFFFD0];
	_ =	sdelay $0x4  }
0xa8: {  	[tilespmem:v3+s15+$0x0] =	vst.idx.msk $0xffff, v8  }
0xa9: {  	v8 =	vld [tilespmem:s0+$0xFFFFFFE0];
	_ =	sdelay $0x4  }
0xaa: {  	[tilespmem:v4+s15+$0x0] =	vst.idx.msk $0xffff, v8  }
0xab: {  	v8 =	vld [tilespmem:s1+$0xFFFFFFE0];
	_ =	sdelay $0x4  }
0xac: {  	[tilespmem:v5+s15+$0x0] =	vst.idx.msk $0xffff, v8  }
0xad: {  	v8 =	vld [tilespmem:s0+$0xFFFFFFF0];
	_ =	sdelay $0x4  }
0xae: {  	[tilespmem:v6+s15+$0x0] =	vst.idx.msk $0xffff, v8  }
0xaf: {  	v8 =	vld [tilespmem:s1+$0xFFFFFFF0];
	_ =	sdelay $0x4  }
0xb0: {  	[tilespmem:v7+s15+$0x0] =	vst.idx.msk $0xffff, v8  }
0xb1: {  	[tilespmem:s16], [sflag:$0x2] =	stream.indirect.gather [hbm4b:s4+s13], $0x80, s15, s13, $0xb8;
	[tilespmem:$0x13400] =	vst v63  }
0xb2: {  	_ =	swait.ge [sflag:s17], $0x4000  }
0xb3: {  	s11 =	smov.u32 s8;
	s9 =	rddreg [dreg:$0x4];
	[sflag:s17] =	ssyncset.done $0x0  }
0xb4: {  	[sflag:s17] =	ssyncadd.s32 $0xFFFFC000;
	s8 =	sadd.s32 s6, s9;
	s9 =	simm.s32 @!p0 $0x7  }
0xb5: {  	[hbm4b:s8+s3] =	stream.linear.scatter [tilespmem:s14], [sflag:$0x5], $0x4000, $0x38;
	[tilespmem:$0x13400] =	vst v63  }
0xb6: {  	_ =	swait.ge @!p0 [sflag:s9], $0x4000  }
0xb7: {  	[sflag:s9] =	ssyncset.done @!p0 $0x0  }
0xb8: {  	[sflag:s9] =	ssyncadd.s32 @!p0 $0xFFFFC000  }
0xb9: {  	v8 =	vld [tilespmem:s0+$0x0];
	_ =	sdelay $0x4  }
0xba: {  	[tilespmem:v0+s18+$0x0] =	vst.idx.msk $0xffff, v8  }
0xbb: {  	v8 =	vld [tilespmem:s1+$0x0];
	_ =	sdelay $0x4  }
0xbc: {  	[tilespmem:v1+s18+$0x0] =	vst.idx.msk $0xffff, v8  }
0xbd: {  	v8 =	vld [tilespmem:s0+$0x10];
	_ =	sdelay $0x4  }
0xbe: {  	[tilespmem:v2+s18+$0x0] =	vst.idx.msk $0xffff, v8  }
0xbf: {  	v8 =	vld [tilespmem:s1+$0x10];
	_ =	sdelay $0x4  }
0xc0: {  	[tilespmem:v3+s18+$0x0] =	vst.idx.msk $0xffff, v8  }
0xc1: {  	v8 =	vld [tilespmem:s0+$0x20];
	_ =	sdelay $0x4  }
0xc2: {  	[tilespmem:v4+s18+$0x0] =	vst.idx.msk $0xffff, v8  }
0xc3: {  	v8 =	vld [tilespmem:s1+$0x20];
	_ =	sdelay $0x4  }
0xc4: {  	[tilespmem:v5+s18+$0x0] =	vst.idx.msk $0xffff, v8  }
0xc5: {  	v8 =	vld [tilespmem:s0+$0x30];
	_ =	sdelay $0x4  }
0xc6: {  	[tilespmem:v6+s18+$0x0] =	vst.idx.msk $0xffff, v8  }
0xc7: {  	v8 =	vld [tilespmem:s1+$0x30];
	_ =	sdelay $0x4  }
0xc8: {  	[tilespmem:v7+s18+$0x0] =	vst.idx.msk $0xffff, v8  }
0xc9: {  	[tilespmem:s19], [sflag:$0x3] =	stream.indirect.gather [hbm4b:s4+s13], $0x80, s18, s13, $0xb8;
	[tilespmem:$0x13400] =	vst v63  }
0xca: {  	_ =	swait.ge [sflag:s20], $0x4000  }
0xcb: {  	s24 =	rddreg [dreg:$0x5];
	[sflag:s20] =	ssyncset.done $0x0  }
0xcc: {  	s9 =	simm.s32 @!p0 $0x8;
	[sflag:s20] =	ssyncadd.s32 $0xFFFFC000;
	s8 =	sadd.s32 s6, s24  }
0xcd: {  	[hbm4b:s8+s3] =	stream.linear.scatter [tilespmem:s16], [sflag:$0x6], $0x4000, $0x38;
	[tilespmem:$0x13400] =	vst v63  }
0xce: {  	_ =	swait.ge @!p0 [sflag:s9], $0x4000  }
0xcf: {  	[sflag:s9] =	ssyncset.done @!p0 $0x0  }
0xd0: {  	[sflag:s9] =	ssyncadd.s32 @!p0 $0xFFFFC000  }
0xd1: {  	v8 =	vld [tilespmem:s0+$0x40];
	_ =	sdelay $0x4  }
0xd2: {  	[tilespmem:v0+s21+$0x0] =	vst.idx.msk $0xffff, v8  }
0xd3: {  	v8 =	vld [tilespmem:s1+$0x40];
	_ =	sdelay $0x4  }
0xd4: {  	[tilespmem:v1+s21+$0x0] =	vst.idx.msk $0xffff, v8  }
0xd5: {  	v8 =	vld [tilespmem:s0+$0x50];
	_ =	sdelay $0x4  }
0xd6: {  	[tilespmem:v2+s21+$0x0] =	vst.idx.msk $0xffff, v8  }
0xd7: {  	v8 =	vld [tilespmem:s1+$0x50];
	_ =	sdelay $0x4  }
0xd8: {  	[tilespmem:v3+s21+$0x0] =	vst.idx.msk $0xffff, v8  }
0xd9: {  	v8 =	vld [tilespmem:s0+$0x60];
	_ =	sdelay $0x4  }
0xda: {  	[tilespmem:v4+s21+$0x0] =	vst.idx.msk $0xffff, v8  }
0xdb: {  	v8 =	vld [tilespmem:s1+$0x60];
	_ =	sdelay $0x4  }
0xdc: {  	[tilespmem:v5+s21+$0x0] =	vst.idx.msk $0xffff, v8  }
0xdd: {  	v8 =	vld [tilespmem:s0+$0x70];
	_ =	sdelay $0x4  }
0xde: {  	[tilespmem:v6+s21+$0x0] =	vst.idx.msk $0xffff, v8  }
0xdf: {  	v8 =	vld [tilespmem:s1+$0x70];
	_ =	sdelay $0x2  }
0xe0: {  	s5 =	sadd.s32 $0x2000, s5  }
0xe1: {  	p1 =	sne.s32 s5, $0x32000  }
.Ltmp0:
0xe2: {  	[tilespmem:v7+s21+$0x0] =	vst.idx.msk $0xffff, v8;
	(pc) =	sbr.rel @p1 .LBB2_2-.Ltmp0, $4  }
0xe3: {  	[tilespmem:s22], [sflag:$0x4] =	stream.indirect.gather [hbm4b:s4+s13], $0x80, s21, s13, $0xb8;
	[tilespmem:$0x13400] =	vst v63  }
0xe4: {  	p0 =	por p2, p2;
	_ =	swait.ge [sflag:s23], $0x4000  }
0xe5: {  	s0 =	sadd.s32 $0x100, s0;
	[sflag:s23] =	ssyncset.done $0x0;
	s25 =	rddreg [dreg:$0x3]  }
0xe6: {  	s1 =	sadd.s32 $0x100, s1;
	[sflag:s23] =	ssyncadd.s32 $0xFFFFC000;
	s6 =	sadd.s32 s6, s25  }
0xe7: {  	[hbm4b:s6+s3] =	stream.linear.scatter [tilespmem:s19], [sflag:$0x7], $0x4000, $0x38;
	[tilespmem:$0x13400] =	vst v63  }
0xe8: {  	s5 =	simm.s32 @!p0 $0x5  }
0xe9: {  	_ =	swait.ge @!p0 [sflag:s5], $0x4000  }
0xea: {  	[sflag:s5] =	ssyncset.done @!p0 $0x0  }
0xeb: {  	[sflag:s5] =	ssyncadd.s32 @!p0 $0xFFFFC000  }
0xec: {  	v8 =	vld [tilespmem:s0+$0xFFFFFF80];
	_ =	sdelay $0x4  }
0xed: {  	[tilespmem:v0+s12+$0x0] =	vst.idx.msk $0xffff, v8  }
0xee: {  	v8 =	vld [tilespmem:s1+$0xFFFFFF80];
	_ =	sdelay $0x4  }
0xef: {  	[tilespmem:v1+s12+$0x0] =	vst.idx.msk $0xffff, v8  }
0xf0: {  	v8 =	vld [tilespmem:s0+$0xFFFFFF90];
	_ =	sdelay $0x4  }
0xf1: {  	[tilespmem:v2+s12+$0x0] =	vst.idx.msk $0xffff, v8  }
0xf2: {  	v8 =	vld [tilespmem:s1+$0xFFFFFF90];
	_ =	sdelay $0x4  }
0xf3: {  	[tilespmem:v3+s12+$0x0] =	vst.idx.msk $0xffff, v8  }
0xf4: {  	v8 =	vld [tilespmem:s0+$0xFFFFFFA0];
	_ =	sdelay $0x4  }
0xf5: {  	[tilespmem:v4+s12+$0x0] =	vst.idx.msk $0xffff, v8  }
0xf6: {  	v8 =	vld [tilespmem:s1+$0xFFFFFFA0];
	_ =	sdelay $0x4  }
0xf7: {  	[tilespmem:v5+s12+$0x0] =	vst.idx.msk $0xffff, v8  }
0xf8: {  	v8 =	vld [tilespmem:s0+$0xFFFFFFB0];
	_ =	sdelay $0x4  }
0xf9: {  	[tilespmem:v6+s12+$0x0] =	vst.idx.msk $0xffff, v8  }
0xfa: {  	v8 =	vld [tilespmem:s1+$0xFFFFFFB0];
	_ =	sdelay $0x4  }
0xfb: {  	s5 =	simm.s32 @!p0 $0x4;
	[tilespmem:v7+s12+$0x0] =	vst.idx.msk $0xffff, v8  }
0xfc: {  	[tilespmem:s14], [sflag:$0x1] =	stream.indirect.gather [hbm4b:s4+s13], $0x80, s12, s13, $0xb8;
	[tilespmem:$0x13400] =	vst v63  }
0xfd: {  	_ =	swait.ge @!p0 [sflag:s5], $0x4000  }
0xfe: {  	[sflag:s5] =	ssyncset.done @!p0 $0x0  }
0xff: {  	s6 =	simm.s32 @!p0 $0xF400;
	[sflag:s5] =	ssyncadd.s32 @!p0 $0xFFFFC000;
	s5 =	simm.s32 @!p0 $0x0  }
0x100: {  	[hbm4b:s11+s5] =	stream.linear.scatter @!p0 [tilespmem:s6], [sflag:$0x8], $0x4000, $0x38;
	[tilespmem:$0x13400] =	vst v63  }
0x101: {  	s5 =	simm.s32 @!p0 $0x6  }
0x102: {  	_ =	swait.ge @!p0 [sflag:s5], $0x4000  }
0x103: {  	[sflag:s5] =	ssyncset.done @!p0 $0x0  }
0x104: {  	[sflag:s5] =	ssyncadd.s32 @!p0 $0xFFFFC000  }
0x105: {  	v8 =	vld [tilespmem:s0+$0xFFFFFFC0];
	_ =	sdelay $0x4  }
0x106: {  	[tilespmem:v0+s15+$0x0] =	vst.idx.msk $0xffff, v8  }
0x107: {  	v8 =	vld [tilespmem:s1+$0xFFFFFFC0];
	_ =	sdelay $0x4  }
0x108: {  	[tilespmem:v1+s15+$0x0] =	vst.idx.msk $0xffff, v8  }
0x109: {  	v8 =	vld [tilespmem:s0+$0xFFFFFFD0];
	_ =	sdelay $0x4  }
0x10a: {  	[tilespmem:v2+s15+$0x0] =	vst.idx.msk $0xffff, v8  }
0x10b: {  	v8 =	vld [tilespmem:s1+$0xFFFFFFD0];
	_ =	sdelay $0x4  }
0x10c: {  	[tilespmem:v3+s15+$0x0] =	vst.idx.msk $0xffff, v8  }
0x10d: {  	v8 =	vld [tilespmem:s0+$0xFFFFFFE0];
	_ =	sdelay $0x4  }
0x10e: {  	[tilespmem:v4+s15+$0x0] =	vst.idx.msk $0xffff, v8  }
0x10f: {  	v8 =	vld [tilespmem:s1+$0xFFFFFFE0];
	_ =	sdelay $0x4  }
0x110: {  	[tilespmem:v5+s15+$0x0] =	vst.idx.msk $0xffff, v8  }
0x111: {  	v8 =	vld [tilespmem:s0+$0xFFFFFFF0];
	_ =	sdelay $0x4  }
0x112: {  	[tilespmem:v6+s15+$0x0] =	vst.idx.msk $0xffff, v8  }
0x113: {  	v8 =	vld [tilespmem:s1+$0xFFFFFFF0];
	_ =	sdelay $0x4  }
0x114: {  	[tilespmem:v7+s15+$0x0] =	vst.idx.msk $0xffff, v8  }
0x115: {  	[tilespmem:s16], [sflag:$0x2] =	stream.indirect.gather [hbm4b:s4+s13], $0x80, s15, s13, $0xb8;
	[tilespmem:$0x13400] =	vst v63  }
0x116: {  	_ =	swait.ge [sflag:s17], $0x4000  }
0x117: {  	s6 =	rddreg [dreg:$0x4];
	[sflag:s17] =	ssyncset.done $0x0  }
0x118: {  	[sflag:s17] =	ssyncadd.s32 $0xFFFFC000;
	s5 =	sadd.s32 s31, s6  }
0x119: {  	[hbm4b:s5+s3] =	stream.linear.scatter [tilespmem:s14], [sflag:$0x5], $0x4000, $0x38;
	[tilespmem:$0x13400] =	vst v63  }
0x11a: {  	s5 =	simm.s32 @!p0 $0x7  }
0x11b: {  	_ =	swait.ge @!p0 [sflag:s5], $0x4000  }
0x11c: {  	[sflag:s5] =	ssyncset.done @!p0 $0x0  }
0x11d: {  	[sflag:s5] =	ssyncadd.s32 @!p0 $0xFFFFC000  }
0x11e: {  	v8 =	vld [tilespmem:s0+$0x0];
	_ =	sdelay $0x4  }
0x11f: {  	[tilespmem:v0+s18+$0x0] =	vst.idx.msk $0xffff, v8  }
0x120: {  	v8 =	vld [tilespmem:s1+$0x0];
	_ =	sdelay $0x4  }
0x121: {  	[tilespmem:v1+s18+$0x0] =	vst.idx.msk $0xffff, v8  }
0x122: {  	v8 =	vld [tilespmem:s0+$0x10];
	_ =	sdelay $0x4  }
0x123: {  	[tilespmem:v2+s18+$0x0] =	vst.idx.msk $0xffff, v8  }
0x124: {  	v8 =	vld [tilespmem:s1+$0x10];
	_ =	sdelay $0x4  }
0x125: {  	[tilespmem:v3+s18+$0x0] =	vst.idx.msk $0xffff, v8  }
0x126: {  	v8 =	vld [tilespmem:s0+$0x20];
	_ =	sdelay $0x4  }
0x127: {  	[tilespmem:v4+s18+$0x0] =	vst.idx.msk $0xffff, v8  }
0x128: {  	v8 =	vld [tilespmem:s1+$0x20];
	_ =	sdelay $0x4  }
0x129: {  	[tilespmem:v5+s18+$0x0] =	vst.idx.msk $0xffff, v8  }
0x12a: {  	v8 =	vld [tilespmem:s0+$0x30];
	_ =	sdelay $0x4  }
0x12b: {  	[tilespmem:v6+s18+$0x0] =	vst.idx.msk $0xffff, v8  }
0x12c: {  	v8 =	vld [tilespmem:s1+$0x30];
	_ =	sdelay $0x4  }
0x12d: {  	[tilespmem:v7+s18+$0x0] =	vst.idx.msk $0xffff, v8  }
0x12e: {  	[tilespmem:s19], [sflag:$0x3] =	stream.indirect.gather [hbm4b:s4+s13], $0x80, s18, s13, $0xb8;
	[tilespmem:$0x13400] =	vst v63  }
0x12f: {  	_ =	swait.ge [sflag:s20], $0x4000  }
0x130: {  	s8 =	rddreg [dreg:$0x5];
	[sflag:s20] =	ssyncset.done $0x0  }
0x131: {  	[sflag:s20] =	ssyncadd.s32 $0xFFFFC000;
	s5 =	sadd.s32 s31, s8  }
0x132: {  	[hbm4b:s5+s3] =	stream.linear.scatter [tilespmem:s16], [sflag:$0x6], $0x4000, $0x38;
	[tilespmem:$0x13400] =	vst v63  }
0x133: {  	s5 =	simm.s32 @!p0 $0x8  }
0x134: {  	_ =	swait.ge @!p0 [sflag:s5], $0x4000  }
0x135: {  	[sflag:s5] =	ssyncset.done @!p0 $0x0  }
0x136: {  	[sflag:s5] =	ssyncadd.s32 @!p0 $0xFFFFC000  }
0x137: {  	v8 =	vld [tilespmem:s0+$0x40];
	_ =	sdelay $0x4  }
0x138: {  	[tilespmem:v0+s21+$0x0] =	vst.idx.msk $0xffff, v8  }
0x139: {  	v8 =	vld [tilespmem:s1+$0x40];
	_ =	sdelay $0x4  }
0x13a: {  	[tilespmem:v1+s21+$0x0] =	vst.idx.msk $0xffff, v8  }
0x13b: {  	v8 =	vld [tilespmem:s0+$0x50];
	_ =	sdelay $0x4  }
0x13c: {  	[tilespmem:v2+s21+$0x0] =	vst.idx.msk $0xffff, v8  }
0x13d: {  	v8 =	vld [tilespmem:s1+$0x50];
	_ =	sdelay $0x4  }
0x13e: {  	[tilespmem:v3+s21+$0x0] =	vst.idx.msk $0xffff, v8  }
0x13f: {  	v8 =	vld [tilespmem:s0+$0x60];
	_ =	sdelay $0x4  }
0x140: {  	[tilespmem:v4+s21+$0x0] =	vst.idx.msk $0xffff, v8  }
0x141: {  	v8 =	vld [tilespmem:s1+$0x60];
	_ =	sdelay $0x4  }
0x142: {  	[tilespmem:v5+s21+$0x0] =	vst.idx.msk $0xffff, v8  }
0x143: {  	v8 =	vld [tilespmem:s0+$0x70];
	_ =	sdelay $0x4  }
0x144: {  	[tilespmem:v6+s21+$0x0] =	vst.idx.msk $0xffff, v8  }
0x145: {  	v8 =	vld [tilespmem:s1+$0x70];
	_ =	sdelay $0x4  }
0x146: {  	[tilespmem:v7+s21+$0x0] =	vst.idx.msk $0xffff, v8  }
0x147: {  	[tilespmem:s22], [sflag:$0x4] =	stream.indirect.gather [hbm4b:s4+s13], $0x80, s21, s13, $0xb8;
	[tilespmem:$0x13400] =	vst v63  }
0x148: {  	_ =	swait.ge [sflag:s23], $0x4000  }
0x149: {  	s9 =	rddreg [dreg:$0x3];
	[sflag:s23] =	ssyncset.done $0x0  }
0x14a: {  	s11 =	simm.s32 $0x4;
	s0 =	sadd.s32 s31, s9;
	[sflag:s23] =	ssyncadd.s32 $0xFFFFC000  }
0x14b: {  	[hbm4b:s0+s3] =	stream.linear.scatter [tilespmem:s19], [sflag:$0x7], $0x4000, $0x38;
	[tilespmem:$0x13400] =	vst v63  }
0x14c: {  	_ =	swait.ge [sflag:s11], $0x4000  }
0x14d: {  	[sflag:s11] =	ssyncset.done $0x0  }
0x14e: {  	s25 =	simm.s32 $0x5;
	s24 =	rddreg [dreg:$0x8];
	[sflag:s11] =	ssyncadd.s32 $0xFFFFC000  }
0x14f: {  	[hbm4b:s24+s3] =	stream.linear.scatter [tilespmem:s22], [sflag:$0x8], $0x4000, $0x38;
	[tilespmem:$0x13400] =	vst v63  }
0x150: {  	_ =	swait.ge [sflag:s25], $0x4000  }
0x151: {  	[sflag:s25] =	ssyncset.done $0x0  }
0x152: {  	[sflag:s25] =	ssyncadd.s32 $0xFFFFC000  }
0x153: {  	_ =	swait.ge [sflag:s26], $0x4000  }
0x154: {  	[sflag:s26] =	ssyncset.done $0x0  }
0x155: {  	[sflag:s26] =	ssyncadd.s32 $0xFFFFC000  }
0x156: {  	_ =	swait.ge [sflag:s28], $0x4000  }
0x157: {  	[sflag:s28] =	ssyncset.done $0x0  }
0x158: {  	[sflag:s28] =	ssyncadd.s32 $0xFFFFC000  }
0x159: {  	_ =	swait.ge [sflag:s29], $0x4000  }
0x15a: {  	s30 =	sadd.s32 $0x1, s30;
	s31 =	rddreg [dreg:$0x9]  }
0x15b: {  	p0 =	sne.s32 s30, s31  }
.Ltmp1:
0x15c: {  	_ = 	snop;
	(pc) =	sbr.rel @p0 .LBB2_1-.Ltmp1, $3  }
0x15d: {  	_ =	sdelay $0x1  }
0x15e: {  	[sflag:s29] =	ssyncset.done $0x0  }
0x15f: {  	[sflag:s29] =	ssyncadd.s32 $0xFFFFC000  }
0x160: {  	_ =	sfence.sel $0x180000  }
0x161: {  	[bflag:$0x0] =	sbarrier.arrive $0xFFFF  }
0x162: {  	_ =	strace $0x90000047  }
0x163: {  	s0 =	stileid.u32;
	[bflag:$0x2] =	sbarrier.arrive $0xFFFF  }
0x164: {  	p0 =	sne.s32 s0, $0x0;
	s0 =	rddreg [dreg:$0x2]  }
0x165: {  	s0 =	sadd.s32 @!p0 $0x100000, s0  }
0x166: {  	[sflag:s0] =	ssyncadd.tile.s32 @!p0 $0x1;
	_ =	shalt  }
.Lfunc_end2:
_tile_overlayer_lowered:
.L_overlay_start_2:
0x167: {  	(tag) =	ssettag $0x2  }
0x168: {  	s0 =	rddreg [dreg:$0x0];
	s2 =	stileid.u32  }
0x169: {  	s1 =	rddreg [dreg:$0x1];
	p0 =	sne.s32 s2, $0x0  }
0x16a: {  	s3 =	rddreg [dreg:$0x2];
	[bflag:$0x3] =	sbarrier.arrive $0xFFFF;
	s2 =	simm.s32 @!p0 $0x1C09  }
0x16b: {  	[timem:s3], [sflag:s2] =	dma.local @!p0 [hbm:s0], s1  }
0x16c: {  	s0 =	simm.s32 @!p0 $0x9  }
0x16d: {  	_ =	swait.ge @!p0 [sflag:s0], s1  }
0x16e: {  	s1 =	ssub.s32 @!p0 $0x0, s1;
	[sflag:s0] =	ssyncset.done @!p0 $0x0  }
0x16f: {  	[sflag:s0] =	ssyncadd.s32 @!p0 s1  }
0x170: {  	[bflag:$0x3] =	sbarrier.arrive $0xFFFF  }
0x171: {  	_ =	shalt  }

// kernel: sparse-core-data-format-call.cloned.1.call-start
scs
called_computation_lowered:
.L_overlay_start_0:
0x0: {  	s2 =	sld [smem:$0x3FD9]  }
0x1: {  	s3 =	sld [smem:$0x3FFE];
	_ =	sdelay $0x1  }
0x2: {  	s1 =	srdreg.scid  }
0x3: {  	s0 =	sand.u32 $0x1, s1  }
0x4: {  	s18 =	sshll.u32 s0, $0xA;
	s2 =	sadd.s32 s3, s2  }
0x5: {  	s2 =	sadd.s32 s2, s18  }
0x6: {  	[smem:$0x3FC4] =	sst s2  }
0x7: {  	_ = 	snop  }
0x8: {  	s2 =	sld [smem:$0x3FD0];
	(tm) =	ssettm $0x1  }
0x9: {  	s19 =	sld [smem:$0x3FFB];
	_ =	sdelay $0x3  }
0xa: {  	_ =	strace s19  }
0xb: {  	s3 =	sld [smem:$0x3FFC];
	_ =	sdelay $0x3  }
0xc: {  	_ =	strace s3  }
0xd: {  	s3 =	sld [smem:$0x3FFD];
	_ =	sdelay $0x3  }
0xe: {  	_ =	strace s3  }
0xf: {  	_ =	strace $0x8FFFFFFF  }
0x10: {  	s20 =	sld [smem:$0x3FDB];
	_ =	sdelay $0x1  }
0x11: {  	s4 =	simm.s32 $_scs_section_size  }
0x12: {  	s5 =	simm.s32 $_size__tile_overlayer_lowered;
	s6 =	simm.s32 $_tile_overlayer_lowered  }
0x13: {  	s23 =	simm.s32 $0x1BFF;
	s22 =	sshll.u32 s6, $0x1;
	s3 =	sadd.s32 s4, s20  }
0x14: {  	s7 =	simm.s32 $0x0;
	s21 =	sshll.u32 s5, $0x1;
	s5 =	sadd.s32 s22, s3  }
0x15: {  	[timem:s7], [sflag:s23] =	dma.local [hbm:s5], s21  }
0x16: {  	_ =	swait.ge [sflag:s23], s21  }
0x17: {  	s4 =	ssub.s32 $0x0, s21;
	[sflag:s23] =	ssyncset.done $0x0  }
0x18: {  	[sflag:s23] =	ssyncadd.s32 s4;
	_ =	sdelay $0x1  }
0x19: {  	s24 =	simm.s32 $0x1B8B  }
0x1a: {  	_ =	swait.ge [sflag:s24], $0x1  }
0x1b: {  	[sflag:s24] =	ssyncset.done $0x0  }
0x1c: {  	s26 =	simm.s32 $0x1B8E;
	s25 =	sld [smem:$0x3FFE];
	[sflag:s24] =	ssyncadd.s32 $0xFFFFFFFF  }
0x1d: {  	s27 =	simm.s32 $execute0_lowered;
	[smem:$0x3FD2] =	sst s26  }
0x1e: {  	s5 =	sshll.u32 s27, $0x1;
	_ =	strace $0x80000049;
	[dreg:$0x1] =	wrdreg $0xFFFFFFFF  }
0x1f: {  	s28 =	simm.s32 $_size_execute0_lowered;
	s3 =	sadd.s32 s3, s5;
	[dreg:$0x0] =	wrdreg $0x0  }
0x20: {  	s5 =	sshll.u32 s28, $0x1;
	[dreg:$0x2] =	wrdreg s3  }
0x21: {  	[dreg:$0x3] =	wrdreg s5  }
0x22: {  	[dreg:$0x4] =	wrdreg $0xC0  }
0x23: {  	_ =	task [dreg:s7], $0x5FFFF  }
0x24: {  	[dreg:$0x1] =	wrdreg $0xFFFFFFFF  }
0x25: {  	[dreg:$0x0] =	wrdreg $0x60  }
0x26: {  	[dreg:$0x2] =	wrdreg s25  }
0x27: {  	[dreg:$0x3] =	wrdreg s2  }
0x28: {  	[dreg:$0x4] =	wrdreg $0x9  }
0x29: {  	_ =	task.clear_ibuf [dreg:s7], $0x5FFFF;
	_ =	strace $0x90000049  }
0x2a: {  	s29 =	simm.s32 $0x9;
	_ =	strace $0x8000004B  }
0x2b: {  	_ =	swait.ge [sflag:s29], $0x1  }
0x2c: {  	[sflag:s29] =	ssyncadd.s32 $0xFFFFFFFF  }
0x2d: {  	_ =	strace $0x9000004B  }
0x2e: {  	_ =	sfence  }
0x2f: {  	s30 =	sld [smem:$0x0];
	_ =	sdelay $0x2  }
0x30: {  	s31 =	sshll.u32 s1, $0xD;
	s1 =	sshrl.u32 s1, $0x2  }
0x31: {  	s3 =	sand.u32 $0x4000, s31;
	s1 =	sadd.s32 s1, s30  }
0x32: {  	s0 =	sor.u32 s3, s0;
	s1 =	sshll.u32 s1, $0x11  }
0x33: {  	s0 =	sor.u32 s1, s0  }
0x34: {  	s0 =	sadd.s32 $0x8F2B, s0  }
0x35: {  	[sflag:s0] =	ssyncadd.remote.s32 $0x1  }
0x36: {  	_ =	sfence.sel $0xFFFF  }
0x37: {  	[dreg:$0x0] =	wrdreg $0xFFFFFFFF;
	(pc) =	sbr.abs _section_cstart, $3  }
0x38: {  	[dreg:$0x1] =	wrdreg $0xFFFFFFFF  }
0x39: {  	_ =	task.clear_ibuf [dreg:s7], $0x2FFFF;
	_ =	strace $0x9FFFFFFF  }
0x3a: {  	(tm) =	ssettm $0x7FFFFFFF  }
0x3b: {  	_ =	shalt  }
tec
execute0_lowered:
.L_overlay_start_1:
0x0: {  	(tag) =	ssettag $0x1  }
0x1: {  	s0 =	srdreg.scid  }
0x2: {  	s1 =	sshll.u32 s0, $0x4  }
0x3: {  	s6 =	rddreg [dreg:$0x0];
	s0 =	stileid.u32;
	s1 =	sand.u32 $0x10, s1  }
0x4: {  	s3 =	rddreg [dreg:$0x1];
	s1 =	sor.u32 s0, s1  }
0x5: {  	s5 =	simm.s32 $0x1;
	s31 =	simm.s32 $0x2;
	s2 =	sshll.u32 s1, $0x7  }
0x6: {  	s14 =	simm.s32 $0x0;
	s8 =	simm.s32 $0x800;
	s4 =	ssub.s32 $0x1000, s2  }
0x7: {  	s9 =	simm.s32 $0x0;
	s15 =	simm.s32 $0x0;
	s30 =	sand.u32 $0xF80, s4  }
0x8: {  	s16 =	simm.s32 $0x0;
	s10 =	simm.s32 $0x0;
	p0 =	sne.s32 s30, $0x0  }
.Ltmp0:
0x9: {  	s7 =	sshrl.u32 s4, $0xC;
	s5 =	simm.s32 @!p0 $0x0;
	(pc) =	sbr.rel .LBB1_1-.Ltmp0, $4  }
0xa: {  	s11 =	simm.s32 $0x0;
	s1 =	rddreg [dreg:$0x2];
	s5 =	sadd.s32 s5, s7  }
0xb: {  	_ =	strace $0x8000004A;
	s4 =	simm.s32 $0x1;
	s5 =	smul.u32 $0x64, s5  }
0xc: {  	s13 =	simm.s32 $0x0;
	s6 =	sadd.s32 $0x1400, s6;
	[sflag:s4] =	ssyncpa.u1 $0x0  }
0xd: {  	s12 =	smov.u32 s2;
	[sflag:s31] =	ssyncpa.u1 $0x0;
	s7 =	sor.u32 $0x1, s5  }
.LBB1_4:
0xe: {  	_ =	sdelay $0x3  }
0xf: {  	[tilespmem:v0+s19+$0xFFFFFFD0 ss:$0x1] =	vst.idx.msk $0xffff, v6  }
0x10: {  	v56 =	vld.idx.msk [tilespmem:v1+s18+$0x0 ss:$0x1], $0xffff;
	[tilespmem:v0+s19+$0xFFFFFFE0 ss:$0x1] =	vst.idx.msk $0xffff, v4  }
0x11: {  	v57 =	vld.idx.msk [tilespmem:v1+s18+$0xFFFFFF90 ss:$0x1], $0xffff;
	[tilespmem:v0+s19+$0xFFFFFFF0 ss:$0x1] =	vst.idx.msk $0xffff, v2  }
0x12: {  	v58 =	vld.idx.msk [tilespmem:v1+s18+$0xFFFFFFA0 ss:$0x1], $0xffff;
	[tilespmem:v0+s19+$0x0 ss:$0x1] =	vst.idx.msk $0xffff, v3  }
0x13: {  	v59 =	vld.idx.msk [tilespmem:v1+s18+$0xFFFFFFB0 ss:$0x1], $0xffff;
	[tilespmem:v0+s19+$0x10 ss:$0x1] =	vst.idx.msk $0xffff, v5  }
0x14: {  	v60 =	vld.idx.msk [tilespmem:v1+s18+$0xFFFFFFC0 ss:$0x1], $0xffff;
	[tilespmem:v0+s19+$0x20 ss:$0x1] =	vst.idx.msk $0xffff, v7  }
0x15: {  	v61 =	vld.idx.msk [tilespmem:v1+s18+$0xFFFFFFD0 ss:$0x1], $0xffff;
	s27 =	sshll.u32 s16, $0x8;
	[tilespmem:v0+s18+$0x30 ss:$0x1] =	vst.idx.msk $0xffff, v56  }
0x16: {  	s20 =	sshll.u32 s14, $0x3;
	v62 =	vld.idx.msk [tilespmem:v1+s18+$0xFFFFFFE0 ss:$0x1], $0xffff;
	s28 =	sshll.u32 s16, $0x7;
	s30 =	sand.u32 $0x78, s14;
	[tilespmem:v0+s18+$0xFFFFFFC0 ss:$0x1] =	vst.idx.msk $0xffff, v57  }
0x17: {  	v63 =	vld.idx.msk [tilespmem:v1+s18+$0xFFFFFFF0 ss:$0x1], $0xffff;
	s15 =	sshll.u32 s15, $0x11;
	s19 =	sand.u32 $0xFF800, s27;
	s20 =	sand.u32 $0xFFC00, s20;
	[tilespmem:v0+s18+$0xFFFFFFD0 ss:$0x1] =	vst.idx.msk $0xffff, v58  }
0x18: {  	s29 =	sand.u32 $0x300, s28;
	s16 =	sand.u32 $0x80, s28;
	s19 =	sadd.s32 s19, s20;
	[tilespmem:v0+s18+$0xFFFFFFE0 ss:$0x1] =	vst.idx.msk $0xffff, v59  }
0x19: {  	s31 =	sand.u32 $0x7, s14;
	s16 =	sor.u32 s16, s30;
	s19 =	sor.u32 s29, s19;
	[tilespmem:v0+s18+$0xFFFFFFF0 ss:$0x1] =	vst.idx.msk $0xffff, v60  }
0x1a: {  	s15 =	sadd.s32 s3, s15;
	s16 =	sshrl.u32 s16, $0x3;
	s19 =	sshrl.u32 s19, $0x3;
	[tilespmem:v0+s18+$0x0 ss:$0x1] =	vst.idx.msk $0xffff, v61  }
0x1b: {  	s14 =	sshll.u32 s31, $0x12;
	s15 =	sadd.s32 s16, s15;
	[tilespmem:v0+s18+$0x10 ss:$0x1] =	vst.idx.msk $0xffff, v62;
	s19 =	sand.u32 $0x1FFE0, s19  }
0x1c: {  	s14 =	sor.u32 $0x400, s14;
	[tilespmem:v0+s18+$0x20 ss:$0x1] =	vst.idx.msk $0xffff, v63;
	s15 =	sadd.s32 s19, s15  }
0x1d: {  	[hbm4b:s15+s14] =	stream.strided.scatter [tilespmem:s17], [sflag:$0x2], $0x4000, s8, s14, $0x38;
	[tilespmem:$0x10000] =	vst v63  }
.LBB1_5:
0x1e: {  	s17 =	sadd.s32 $0x80, s10  }
0x1f: {  	s14 =	simm.s32 $0x1;
	p1 =	sgt.s32 s17, $0xFF  }
0x20: {  	s14 =	simm.s32 @!p1 $0x0  }
0x21: {  	s18 =	sadd.s32 s14, s11  }
0x22: {  	s20 =	smov.u32 s12;
	s14 =	sadd.s32 $0x1000, s12;
	p2 =	sgt.s32 s18, $0x31  }
0x23: {  	s20 =	smov.u32 @p2 s14  }
0x24: {  	p0 =	slt.u32 s13, $0x2;
	s17 =	simm.s32 @p1 $0x0;
	p1 =	sgt.s32 s20, $0xFFF  }
0x25: {  	s19 =	simm.s32 @!p0 $0x2;
	s20 =	smov.u32 @p1 s2;
	p1 =	sne.s32 s13, s7  }
.Ltmp1:
0x26: {  	_ =	swait.ge @!p0 [sflag:s19], $0x4000;
	(pc) =	sbr.rel @!p1 .LBB1_6-.Ltmp1, $4  }
0x27: {  	s15 =	smov.u32 s11;
	[sflag:s19] =	ssyncset.done @!p0 $0x0  }
0x28: {  	s16 =	smov.u32 s12;
	s9 =	sadd.s32 $0x4000, s9;
	[sflag:s19] =	ssyncadd.s32 @!p0 $0xFFFFC000  }
0x29: {  	s18 =	simm.s32 @p2 $0x0;
	s14 =	smov.u32 s10;
	s10 =	smov.u32 s17  }
0x2a: {  	s11 =	smov.u32 s18;
	s13 =	sadd.s32 $0x1, s13;
	s12 =	smov.u32 s20  }
.LBB1_1:
0x2b: {  	p0 =	sge.u32 s13, s5  }
0x2c: {  	s17 =	sshll.u32 @!p0 s11, $0x8;
	s18 =	sshll.u32 @!p0 s10, $0x3  }
0x2d: {  	s19 =	sshll.u32 @!p0 s11, $0x7;
	s17 =	sand.u32 @!p0 $0xFFFFF800, s17;
	s18 =	sand.u32 @!p0 $0xFFFFFC00, s18  }
0x2e: {  	s17 =	sadd.s32 @!p0 s17, s18;
	s18 =	sand.u32 @!p0 $0x300, s19  }
0x2f: {  	s17 =	sor.u32 @!p0 s18, s17  }
0x30: {  	s17 =	sshrl.u32 @!p0 s17, $0x8  }
0x31: {  	s31 =	sadd.s32 $0xFFFFFFFF, s13;
	s18 =	smulhi.u32 @!p0 $0x4924925, s17  }
0x32: {  	s20 =	sxor.u32 @!p0 $0xFFFFFFFF, s13;
	s21 =	sand.u32 @!p0 $0x78, s10;
	s22 =	smul.u32 @!p0 $0x700, s12  }
0x33: {  	s20 =	sshll.u32 @!p0 s20, $0xE;
	s19 =	sand.u32 @!p0 $0x80, s19;
	s18 =	smul.u32 @!p0 $0x38, s18  }
0x34: {  	s20 =	sand.u32 @!p0 $0x4000, s20;
	s19 =	sor.u32 @!p0 s21, s19;
	s21 =	sand.u32 @!p0 $0x7, s10  }
0x35: {  	s17 =	ssub.s32 @!p0 s17, s18;
	s18 =	sshrl.u32 @!p0 s19, $0x3;
	s19 =	sadd.s32 @!p0 s6, s22  }
0x36: {  	s17 =	sshll.u32 @!p0 s17, $0x5;
	s18 =	sadd.s32 @!p0 s18, s19;
	s19 =	sshll.u32 @!p0 s21, $0x12  }
0x37: {  	s17 =	sadd.s32 @!p0 s17, s18;
	s18 =	sor.u32 @!p0 $0x80, s19;
	s19 =	simm.s32 @!p0 $0x3800  }
0x38: {  	[tilespmem:s20], [sflag:$0x1] =	stream.strided.gather @!p0 [hbm4b:s17+s18], $0x4000, s19, s18, $0x38;
	[tilespmem:$0x10000] =	vst v63  }
0x39: {  	p0 =	sge.u32 s31, s5  }
.Ltmp2:
0x3a: {  	_ = 	snop;
	(pc) =	sbr.rel @p0 .LBB1_5-.Ltmp2, $1  }
0x3b: {  	_ =	sdelay $0x3  }
0x3c: {  	s17 =	sand.u32 $0x4000, s9  }
0x3d: {  	s18 =	sor.u32 $0x70, s17  }
0x3e: {  	v1 =	vmov s18;
	_ =	sdelay $0x1  }
0x3f: {  	_ =	swait.ge [sflag:s4], $0x4000  }
0x40: {  	[sflag:s4] =	ssyncset.done $0x0  }
0x41: {  	s19 =	simm.s32 $0x0;
	[sflag:s4] =	ssyncadd.s32 $0xFFFFC000  }
0x42: {  	s17 =	sor.u32 $0x8040, s17;
	v7 =	vld.idx.msk [tilespmem:v1+s19+$0x0 ss:$0x1], $0xffff  }
0x43: {  	v0 =	vmov s17;
	v8 =	vld.idx.msk [tilespmem:v1+s19+$0xFFFFFF90 ss:$0x1], $0xffff  }
0x44: {  	v6 =	vld.idx.msk [tilespmem:v1+s19+$0xFFFFFFA0 ss:$0x1], $0xffff  }
0x45: {  	v4 =	vld.idx.msk [tilespmem:v1+s19+$0xFFFFFFB0 ss:$0x1], $0xffff  }
0x46: {  	v2 =	vld.idx.msk [tilespmem:v1+s19+$0xFFFFFFC0 ss:$0x1], $0xffff  }
0x47: {  	s31 =	sshll.u32 s13, $0xE;
	v3 =	vld.idx.msk [tilespmem:v1+s19+$0xFFFFFFD0 ss:$0x1], $0xffff  }
0x48: {  	s17 =	sand.u32 $0x4000, s31;
	v5 =	vld.idx.msk [tilespmem:v1+s19+$0xFFFFFFE0 ss:$0x1], $0xffff;
	[tilespmem:v0+s19+$0x30 ss:$0x1] =	vst.idx.msk $0xffff, v7  }
0x49: {  	s20 =	simm.s32 $0x400;
	s18 =	simm.s32 $0x80;
	s17 =	sor.u32 $0x8000, s17;
	[tilespmem:v0+s19+$0xFFFFFFC0 ss:$0x1] =	vst.idx.msk $0xffff, v8;
	v7 =	vld.idx.msk [tilespmem:v1+s19+$0xFFFFFFF0 ss:$0x1], $0xffff  }
.LBB1_3:
0x4a: {  	p0 =	sne.s32 s20, $0xFE00;
	v8 =	vld.idx.msk [tilespmem:v1+s18+$0x0 ss:$0x1], $0xffff;
	[tilespmem:v0+s19+$0xFFFFFFD0 ss:$0x1] =	vst.idx.msk $0xffff, v6  }
0x4b: {  	v9 =	vld.idx.msk [tilespmem:v1+s18+$0xFFFFFF90 ss:$0x1], $0xffff;
	[tilespmem:v0+s19+$0xFFFFFFE0 ss:$0x1] =	vst.idx.msk $0xffff, v4  }
0x4c: {  	v6 =	vld.idx.msk [tilespmem:v1+s18+$0xFFFFFFA0 ss:$0x1], $0xffff;
	[tilespmem:v0+s19+$0xFFFFFFF0 ss:$0x1] =	vst.idx.msk $0xffff, v2  }
.Ltmp3:
0x4d: {  	v4 =	vld.idx.msk [tilespmem:v1+s18+$0xFFFFFFB0 ss:$0x1], $0xffff;
	[tilespmem:v0+s19+$0x0 ss:$0x1] =	vst.idx.msk $0xffff, v3;
	(pc) =	sbr.rel @p0 .LBB1_3-.Ltmp3, $4  }
0x4e: {  	v2 =	vld.idx.msk [tilespmem:v1+s18+$0xFFFFFFC0 ss:$0x1], $0xffff;
	[tilespmem:v0+s19+$0x10 ss:$0x1] =	vst.idx.msk $0xffff, v5  }
0x4f: {  	v3 =	vld.idx.msk [tilespmem:v1+s18+$0xFFFFFFD0 ss:$0x1], $0xffff;
	[tilespmem:v0+s19+$0x20 ss:$0x1] =	vst.idx.msk $0xffff, v7;
	s19 =	smov.u32 s18  }
0x50: {  	v5 =	vld.idx.msk [tilespmem:v1+s19+$0xFFFFFFE0 ss:$0x1], $0xffff;
	[tilespmem:v0+s19+$0x30 ss:$0x1] =	vst.idx.msk $0xffff, v8  }
0x51: {  	s18 =	sshra.s32 s20, $0x2;
	s20 =	sadd.s32 $0x200, s20;
	[tilespmem:v0+s19+$0xFFFFFFC0 ss:$0x1] =	vst.idx.msk $0xffff, v9;
	v7 =	vld.idx.msk [tilespmem:v1+s19+$0xFFFFFFF0 ss:$0x1], $0xffff  }
.Ltmp4:
0x52: {  	_ = 	snop;
	(pc) =	sbr.rel .LBB1_4-.Ltmp4, $1  }
0x53: {  	_ =	sdelay $0x3  }
.LBB1_6:
0x54: {  	_ =	sfence.sel $0x180000  }
0x55: {  	s2 =	simm.s32 $0x1;
	[bflag:$0x0] =	sbarrier.arrive $0xFFFF  }
0x56: {  	s31 =	simm.s32 $0x2;
	[sflag:s2] =	ssyncpa.u1 $0x1  }
0x57: {  	[sflag:s31] =	ssyncpa.u1 $0x1  }
0x58: {  	p0 =	sne.s32 s0, $0x0;
	_ =	strace $0x9000004A  }
0x59: {  	s0 =	sadd.s32 @!p0 $0x100000, s1;
	[bflag:$0x2] =	sbarrier.arrive $0xFFFF  }
0x5a: {  	[sflag:s0] =	ssyncadd.tile.s32 @!p0 $0x1;
	_ =	shalt  }
.Lfunc_end1:
_tile_overlayer_lowered:
.L_overlay_start_2:
0x5b: {  	(tag) =	ssettag $0x2  }
0x5c: {  	s0 =	rddreg [dreg:$0x0];
	s2 =	stileid.u32  }
0x5d: {  	s1 =	rddreg [dreg:$0x1];
	p0 =	sne.s32 s2, $0x0  }
0x5e: {  	s3 =	rddreg [dreg:$0x2];
	[bflag:$0x3] =	sbarrier.arrive $0xFFFF;
	s2 =	simm.s32 @!p0 $0x1C01  }
0x5f: {  	[timem:s3], [sflag:s2] =	dma.local @!p0 [hbm:s0], s1  }
0x60: {  	s0 =	simm.s32 @!p0 $0x1  }
0x61: {  	_ =	swait.ge @!p0 [sflag:s0], s1  }
0x62: {  	s1 =	ssub.s32 @!p0 $0x0, s1;
	[sflag:s0] =	ssyncset.done @!p0 $0x0  }
0x63: {  	[sflag:s0] =	ssyncadd.s32 @!p0 s1  }
0x64: {  	[bflag:$0x3] =	sbarrier.arrive $0xFFFF  }
0x65: {  	_ =	shalt  }

</sc_bundles>
